<compile_context>
chip_gen: v7x
topology: tpu7x:2x2x1
jax: 0.10.2.dev20260603
libtpu: 0.0.44.dev20260713+nightly
codegen_flags: <defaults>
</compile_context>

<pallas_src>
import functools

import jax
import jax.numpy as jnp
from jax import lax
from jax.experimental import pallas as pl
from jax.experimental.pallas import tpu as pltpu
from jax.experimental.pallas import tpu_sc as plsc

_NUM_EXPERTS = 16
_N_TOKENS = 16384
_SUPER = 1024
_NSUB = 4
_SUB = _SUPER // _NSUB
_NSLOT = 3

_NC = 2
_NS = 16
_NW = _NC * _NS
_ROWS_PER_W = _N_TOKENS // _NW


def _copy(h_hbm, buf, sem, block, slot, s):
    return pltpu.make_async_copy(
        h_hbm.at[pl.ds(block * _SUPER + s * _SUB, _SUB), :],
        buf.at[slot, pl.ds(s * _SUB, _SUB), :],
        sem.at[slot, s],
    )


def _issue(h_hbm, buf, sem, block, slot):
    for s in range(_NSUB):
        _copy(h_hbm, buf, sem, block, slot, s).start()


def _logits_kernel(h_hbm, w_ref, b_ref, out_ref, buf, sem):
    i = pl.program_id(0)
    nblocks = pl.num_programs(0)

    @pl.when(i == 0)
    def _warmup():
        for k in range(_NSLOT):
            _issue(h_hbm, buf, sem, k, k)

    slot = lax.rem(i, _NSLOT)
    for s in range(_NSUB):
        _copy(h_hbm, buf, sem, i, slot, s).wait()

    g = lax.dot_general(
        buf[slot], w_ref[...],
        dimension_numbers=(((1,), (1,)), ((), ())),
        preferred_element_type=jnp.float32,
    )
    out_ref[...] = g + b_ref[...]

    @pl.when(i + _NSLOT < nblocks)
    def _refill():
        _issue(h_hbm, buf, sem, i + _NSLOT, slot)


def _route_one_row(g_v, o_v, idx, lane_t, lane_s, r):
    g = g_v[r]
    s = lax.sort(g)
    m1 = s.at[lane_t].get(mode="promise_in_bounds")
    m2 = s.at[lane_s].get(mode="promise_in_bounds")
    i1 = plsc.all_reduce_ffs(g == m1)
    at1 = idx == i1
    i2 = plsc.all_reduce_ffs((g == m2) & jnp.logical_not(at1))
    mask = at1 | (idx == i2)
    e = jnp.exp(g - m1)
    denom = 1.0 + jnp.exp(m2 - m1)
    o_v[r] = jnp.where(mask, e / denom, 0.0)


def _route_kernel(g_hbm, out_hbm, g_v, o_v):
    wid = lax.axis_index("s") * _NC + lax.axis_index("c")
    base = wid * _ROWS_PER_W
    pltpu.sync_copy(g_hbm.at[pl.ds(base, _ROWS_PER_W), :], g_v)
    idx = lax.iota(jnp.int32, _NUM_EXPERTS)
    lane_t = jnp.full((_NUM_EXPERTS,), _NUM_EXPERTS - 1, jnp.int32)
    lane_s = jnp.full((_NUM_EXPERTS,), _NUM_EXPERTS - 2, jnp.int32)

    @plsc.parallel_loop(0, _ROWS_PER_W, unroll=4)
    def _rows(r):
        _route_one_row(g_v, o_v, idx, lane_t, lane_s, r)

    pltpu.sync_copy(o_v, out_hbm.at[pl.ds(base, _ROWS_PER_W), :])


@functools.partial(jax.jit, static_argnames=())
def kernel(h, W, b):
    n, d = h.shape
    ne = W.shape[0]
    b2 = b.reshape(1, ne)
    g = pl.pallas_call(
        _logits_kernel,
        grid=(n // _SUPER,),
        in_specs=[
            pl.BlockSpec(memory_space=pl.ANY),
            pl.BlockSpec((ne, d), lambda i: (0, 0)),
            pl.BlockSpec((1, ne), lambda i: (0, 0)),
        ],
        out_specs=pl.BlockSpec((_SUPER, ne), lambda i: (i, 0)),
        out_shape=jax.ShapeDtypeStruct((n, ne), jnp.float32),
        scratch_shapes=[
            pltpu.VMEM((_NSLOT, _SUPER, 2048), jnp.float32),
            pltpu.SemaphoreType.DMA((_NSLOT, _NSUB)),
        ],
        compiler_params=pltpu.CompilerParams(
            dimension_semantics=("arbitrary",),
        ),
    )(h, W, b2)

    route = functools.partial(
        pl.kernel,
        out_type=jax.ShapeDtypeStruct((n, ne), jnp.float32),
        mesh=plsc.VectorSubcoreMesh(core_axis_name="c", subcore_axis_name="s"),
        compiler_params=pltpu.CompilerParams(needs_layout_passes=False),
        scratch_types=[
            pltpu.VMEM((_ROWS_PER_W, _NUM_EXPERTS), jnp.float32),
            pltpu.VMEM((_ROWS_PER_W, _NUM_EXPERTS), jnp.float32),
        ],
    )(_route_kernel)
    return route(g)

# --- scband reference (transcript-rebuilt; emitter-appended) ---
"""Pipeline reference for scband-feature-only-gate-12635793784886 (READ-ONLY COPY).

The authoritative reference and input builder live on the scoring server;
editing this copy changes nothing except your own understanding.
"""

import jax, jax.numpy as jnp
import numpy as np

EMB_DIM = 2048
NUM_EXPERTS = 16
TOP_K = 2
N_TOKENS = 16384


def setup_inputs(seed: int = 0) -> dict:
    key = jax.random.key(seed)
    k_h, k_w, k_b = jax.random.split(key, 3)
    h = jax.random.normal(k_h, (N_TOKENS, EMB_DIM), dtype=jnp.float32)
    # nn.Linear(emb_dim, num_experts): weight [num_experts, emb_dim], bias [num_experts]
    bound = 1.0 / np.sqrt(EMB_DIM)
    W = jax.random.uniform(k_w, (NUM_EXPERTS, EMB_DIM), dtype=jnp.float32, minval=-bound, maxval=bound)
    b = jax.random.uniform(k_b, (NUM_EXPERTS,), dtype=jnp.float32, minval=-bound, maxval=bound)
    return {"h": h, "W": W, "b": b}


def reference(h, W, b):
    # g = self.lin(h)
    g = h @ W.T + b
    # w = softmax(g, dim=-1)
    w = jax.nn.softmax(g, axis=-1)
    # top-k masking (top_k < num_experts)
    _, idx = jax.lax.top_k(w, TOP_K)
    rows = jnp.arange(w.shape[0])[:, None]
    mask = jnp.zeros_like(w).at[rows, idx].set(1.0)
    wm = w * mask
    w_out = wm / jnp.maximum(wm.sum(axis=-1, keepdims=True), 1e-09)
    return w_out

if __name__ == "__main__":
    import jax
    _d = setup_inputs()
    print(jax.jit(kernel)(*tuple(_d.values())))

</pallas_src>

<mosaic_0001>
#map = affine_map<(d0, d1) -> (0, 0)>
module attributes {stable_mosaic.version = 14 : i64} {
  func.func @_route_kernel(%arg0: i32, %arg1: i32, %arg2: memref<16384x16xf32, #tpu.memory_space<hbm>>, %arg3: memref<16384x16xf32, #tpu.memory_space<hbm>>, %arg4: memref<512x16xf32, #tpu.memory_space<vmem>>, %arg5: memref<512x16xf32, #tpu.memory_space<vmem>>) attributes {dimension_semantics = [#tpu.dimension_semantics<core_parallel>, #tpu.dimension_semantics<subcore_parallel>], iteration_bounds = array<i64: 2, 16>, scalar_prefetch = 0 : i64, scratch_operands = 2 : i64, tpu.core_type = #tpu.core_type<sc_vector_subcore>, window_params = [{transform_indices = #map}, {transform_indices = #map}]} {
    %mul3A = arith.constant 2 : i32
    %mul3A_0 = arith.muli %arg1, %mul3A : i32
    %add3A = arith.addi %mul3A_0, %arg0 : i32
    %mul3A_1 = arith.constant 512 : i32
    %mul3A_2 = arith.muli %add3A, %mul3A_1 : i32
    "tpu.region"() ({
      %run_scoped3A = tpu.sem_alloc : memref<!tpu.dma_semaphore, #tpu.memory_space<semaphore_mem>>
      %dma_start3A = arith.constant 0 : i32
      %dma_start3A_8 = tpu.memref_slice %arg2[%mul3A_2, %dma_start3A] : memref<16384x16xf32, #tpu.memory_space<hbm>> -> memref<512x16xf32, #tpu.memory_space<hbm>>
      %dma_start3A_9 = arith.constant 0 : i32
      %dma_start3A_10 = tpu.memref_slice %arg2[%mul3A_2, %dma_start3A_9] : memref<16384x16xf32, #tpu.memory_space<hbm>> -> memref<512x16xf32, #tpu.memory_space<hbm>>
      tpu.enqueue_dma source(%dma_start3A_10 : memref<512x16xf32, #tpu.memory_space<hbm>>) target(%arg4 : memref<512x16xf32, #tpu.memory_space<vmem>>) target_semaphore(%run_scoped3A : memref<!tpu.dma_semaphore, #tpu.memory_space<semaphore_mem>>)
      %dma_wait3A = arith.constant 0 : i32
      %dma_wait3A_11 = tpu.memref_slice %arg2[%mul3A_2, %dma_wait3A] : memref<16384x16xf32, #tpu.memory_space<hbm>> -> memref<512x16xf32, #tpu.memory_space<hbm>>
      %dma_wait3A_12 = arith.constant 0 : i32
      %dma_wait3A_13 = tpu.memref_slice %arg2[%mul3A_2, %dma_wait3A_12] : memref<16384x16xf32, #tpu.memory_space<hbm>> -> memref<512x16xf32, #tpu.memory_space<hbm>>
      tpu.wait_dma2 semaphore(%run_scoped3A : memref<!tpu.dma_semaphore, #tpu.memory_space<semaphore_mem>>) src(%dma_wait3A_13 : memref<512x16xf32, #tpu.memory_space<hbm>>) dst(%arg4 : memref<512x16xf32, #tpu.memory_space<vmem>>)
      tpu.yield
    }) : () -> ()
    %iota3A = tpu.iota {dimensions = array<i32: 0>} : vector<16xi32>
    %broadcast_in_dim3A = arith.constant 15 : i32
    %broadcast_in_dim3A_3 = vector.broadcast %broadcast_in_dim3A : i32 to vector<16xi32>
    %broadcast_in_dim3A_4 = arith.constant 14 : i32
    %broadcast_in_dim3A_5 = vector.broadcast %broadcast_in_dim3A_4 : i32 to vector<16xi32>
    %parallel_loop3A = arith.constant 0 : i32
    %parallel_loop3A_6 = arith.constant 512 : i32
    %parallel_loop3A_7 = arith.constant 1 : i32
    scf.for %parallel_loop3A_8 = %parallel_loop3A to %parallel_loop3A_6 step %parallel_loop3A_7  : i32 {
      %parallel_loop3A_9 = arith.index_cast %parallel_loop3A_8 : i32 to index
      %parallel_loop3A_10 = arith.constant 0 : index
      %parallel_loop3A_11 = tpu.vector_load %arg4[%parallel_loop3A_9, %parallel_loop3A_10] {strides = array<i32>} : memref<512x16xf32, #tpu.memory_space<vmem>>, vector<16xf32>,
      %parallel_loop3A_12 = arith.constant dense<true> : vector<16xi1>
      %parallel_loop3A_13, %parallel_loop3A_14, %parallel_loop3A_15 = tpu.sort %parallel_loop3A_11, %parallel_loop3A_11 masked %parallel_loop3A_12 : (vector<16xf32>, vector<16xf32>, vector<16xi1>) -> (vector<16xi1>, vector<16xf32>, vector<16xf32>)
      %parallel_loop3A_16 = arith.constant 0 : i32
      %parallel_loop3A_17 = vector.broadcast %parallel_loop3A_16 : i32 to vector<16xi32>
      %parallel_loop3A_18 = arith.cmpi slt, %broadcast_in_dim3A_3, %parallel_loop3A_17 : vector<16xi32>
      %parallel_loop3A_19 = arith.constant 16 : i32
      %parallel_loop3A_20 = vector.broadcast %parallel_loop3A_19 : i32 to vector<16xi32>
      %parallel_loop3A_21 = arith.addi %broadcast_in_dim3A_3, %parallel_loop3A_20 : vector<16xi32>
      %parallel_loop3A_22 = arith.select %parallel_loop3A_18, %parallel_loop3A_21, %broadcast_in_dim3A_3 : vector<16xi1>, vector<16xi32>
      %parallel_loop3A_23 = vector.shape_cast %parallel_loop3A_22 : vector<16xi32> to vector<16x1xi32>
      %parallel_loop3A_24 = vector.shape_cast %parallel_loop3A_23 : vector<16x1xi32> to vector<16xi32>
      %parallel_loop3A_25 = tpu.dynamic_gather %parallel_loop3A_14[%parallel_loop3A_24] in [0] : vector<16xf32>, vector<16xi32> -> vector<16xf32>
      %parallel_loop3A_26 = arith.constant 0 : i32
      %parallel_loop3A_27 = vector.broadcast %parallel_loop3A_26 : i32 to vector<16xi32>
      %parallel_loop3A_28 = arith.cmpi slt, %broadcast_in_dim3A_5, %parallel_loop3A_27 : vector<16xi32>
      %parallel_loop3A_29 = arith.constant 16 : i32
      %parallel_loop3A_30 = vector.broadcast %parallel_loop3A_29 : i32 to vector<16xi32>
      %parallel_loop3A_31 = arith.addi %broadcast_in_dim3A_5, %parallel_loop3A_30 : vector<16xi32>
      %parallel_loop3A_32 = arith.select %parallel_loop3A_28, %parallel_loop3A_31, %broadcast_in_dim3A_5 : vector<16xi1>, vector<16xi32>
      %parallel_loop3A_33 = vector.shape_cast %parallel_loop3A_32 : vector<16xi32> to vector<16x1xi32>
      %parallel_loop3A_34 = vector.shape_cast %parallel_loop3A_33 : vector<16x1xi32> to vector<16xi32>
      %parallel_loop3A_35 = tpu.dynamic_gather %parallel_loop3A_14[%parallel_loop3A_34] in [0] : vector<16xf32>, vector<16xi32> -> vector<16xf32>
      %parallel_loop3A_36 = arith.cmpf oeq, %parallel_loop3A_11, %parallel_loop3A_25 : vector<16xf32>
      %parallel_loop3A_37 = tpu.all_reduce %parallel_loop3A_36 {dim = 0 : i64, kind = #tpu.reduction_kind<find_first_set>} : vector<16xi1> -> vector<16xi32>
      %parallel_loop3A_38 = arith.cmpi eq, %iota3A, %parallel_loop3A_37 : vector<16xi32>
      %parallel_loop3A_39 = arith.cmpf oeq, %parallel_loop3A_11, %parallel_loop3A_35 : vector<16xf32>
      %parallel_loop3A_40 = arith.constant dense<true> : vector<16xi1>
      %parallel_loop3A_41 = arith.xori %parallel_loop3A_38, %parallel_loop3A_40 : vector<16xi1>
      %parallel_loop3A_42 = arith.andi %parallel_loop3A_39, %parallel_loop3A_41 : vector<16xi1>
      %parallel_loop3A_43 = tpu.all_reduce %parallel_loop3A_42 {dim = 0 : i64, kind = #tpu.reduction_kind<find_first_set>} : vector<16xi1> -> vector<16xi32>
      %parallel_loop3A_44 = arith.cmpi eq, %iota3A, %parallel_loop3A_43 : vector<16xi32>
      %parallel_loop3A_45 = arith.ori %parallel_loop3A_38, %parallel_loop3A_44 : vector<16xi1>
      %parallel_loop3A_46 = arith.subf %parallel_loop3A_11, %parallel_loop3A_25 : vector<16xf32>
      %parallel_loop3A_47 = math.exp %parallel_loop3A_46 : vector<16xf32>
      %parallel_loop3A_48 = arith.subf %parallel_loop3A_35, %parallel_loop3A_25 : vector<16xf32>
      %parallel_loop3A_49 = math.exp %parallel_loop3A_48 : vector<16xf32>
      %parallel_loop3A_50 = arith.constant 1.000000e+00 : f32
      %parallel_loop3A_51 = vector.broadcast %parallel_loop3A_50 : f32 to vector<16xf32>
      %parallel_loop3A_52 = arith.addf %parallel_loop3A_51, %parallel_loop3A_49 : vector<16xf32>
      %parallel_loop3A_53 = arith.divf %parallel_loop3A_47, %parallel_loop3A_52 : vector<16xf32>
      %parallel_loop3A_54 = arith.constant 0.000000e+00 : f32
      %parallel_loop3A_55 = vector.broadcast %parallel_loop3A_54 : f32 to vector<16xf32>
      %parallel_loop3A_56 = arith.select %parallel_loop3A_45, %parallel_loop3A_53, %parallel_loop3A_55 : vector<16xi1>, vector<16xf32>
      %parallel_loop3A_57 = arith.index_cast %parallel_loop3A_8 : i32 to index
      %parallel_loop3A_58 = arith.constant 0 : index
      %parallel_loop3A_59 = tpu.vector_load %arg5[%parallel_loop3A_57, %parallel_loop3A_58] {strides = array<i32>} : memref<512x16xf32, #tpu.memory_space<vmem>>, vector<16xf32>,
      tpu.vector_store %arg5[%parallel_loop3A_57, %parallel_loop3A_58], %parallel_loop3A_56 {strides = array<i32>} : memref<512x16xf32, #tpu.memory_space<vmem>>, vector<16xf32>,
    } {sc.loop_unroll_factor = 4 : i64, sc.parallel_access}
    "tpu.region"() ({
      %run_scoped3A = tpu.sem_alloc : memref<!tpu.dma_semaphore, #tpu.memory_space<semaphore_mem>>
      %dma_start3A = arith.constant 0 : i32
      %dma_start3A_8 = tpu.memref_slice %arg3[%mul3A_2, %dma_start3A] : memref<16384x16xf32, #tpu.memory_space<hbm>> -> memref<512x16xf32, #tpu.memory_space<hbm>>
      %dma_start3A_9 = arith.constant 0 : i32
      %dma_start3A_10 = tpu.memref_slice %arg3[%mul3A_2, %dma_start3A_9] : memref<16384x16xf32, #tpu.memory_space<hbm>> -> memref<512x16xf32, #tpu.memory_space<hbm>>
      tpu.enqueue_dma source(%arg5 : memref<512x16xf32, #tpu.memory_space<vmem>>) target(%dma_start3A_10 : memref<512x16xf32, #tpu.memory_space<hbm>>) target_semaphore(%run_scoped3A : memref<!tpu.dma_semaphore, #tpu.memory_space<semaphore_mem>>)
      %dma_wait3A = arith.constant 0 : i32
      %dma_wait3A_11 = tpu.memref_slice %arg3[%mul3A_2, %dma_wait3A] : memref<16384x16xf32, #tpu.memory_space<hbm>> -> memref<512x16xf32, #tpu.memory_space<hbm>>
      %dma_wait3A_12 = arith.constant 0 : i32
      %dma_wait3A_13 = tpu.memref_slice %arg3[%mul3A_2, %dma_wait3A_12] : memref<16384x16xf32, #tpu.memory_space<hbm>> -> memref<512x16xf32, #tpu.memory_space<hbm>>
      tpu.wait_dma2 semaphore(%run_scoped3A : memref<!tpu.dma_semaphore, #tpu.memory_space<semaphore_mem>>) src(%arg5 : memref<512x16xf32, #tpu.memory_space<vmem>>) dst(%dma_wait3A_13 : memref<512x16xf32, #tpu.memory_space<hbm>>)
      tpu.yield
    }) : () -> ()
    return
  }
}

module attributes {stable_mosaic.version = 14 : i64} {
  func.func @_logits_kernel(%arg0: i32, %arg1: memref<16384x2048xf32, #tpu.memory_space<any>>, %arg2: memref<16x2048xf32, #tpu.memory_space<vmem>>, %arg3: memref<1x16xf32, #tpu.memory_space<vmem>>, %arg4: memref<1024x16xf32, #tpu.memory_space<vmem>>, %arg5: memref<3x1024x2048xf32, #tpu.memory_space<vmem>>, %arg6: memref<3x4x!tpu.dma_semaphore, #tpu.memory_space<semaphore_mem>>) attributes {dimension_semantics = [#tpu.dimension_semantics<arbitrary>], iteration_bounds = array<i64: 16>, scalar_prefetch = 0 : i64, scratch_operands = 2 : i64, tpu.core_type = #tpu.core_type<tc>, window_params = [{}, {pipeline_mode = #tpu.pipeline_mode<synchronous>, transform_indices = @transform_1, window_bounds = array<i64: 16, 2048>}, {pipeline_mode = #tpu.pipeline_mode<synchronous>, transform_indices = @transform_2, window_bounds = array<i64: 1, 16>}, {transform_indices = @transform_3, window_bounds = array<i64: 1024, 16>}]} {
    %eq3A = arith.constant 0 : i32
    %eq3A_0 = arith.cmpi eq, %arg0, %eq3A : i32
    %convert_element_type3A = arith.extui %eq3A_0 : i1 to i32
    %cond3A = arith.constant 0 : i32
    %cond3A_1 = arith.cmpi ne, %convert_element_type3A, %cond3A : i32
    scf.if %cond3A_1 {
      %dma_start3A = arith.constant 0 : i32
      %dma_start3A_73 = arith.constant 0 : i32
      %dma_start3A_74 = arith.constant 0 : i32
      %dma_start3A_75 = tpu.memref_slice %arg6[%dma_start3A_73, %dma_start3A_74] : memref<3x4x!tpu.dma_semaphore, #tpu.memory_space<semaphore_mem>> -> memref<1x1x!tpu.dma_semaphore, #tpu.memory_space<semaphore_mem>>
      %dma_start3A_76 = tpu.memref_squeeze %dma_start3A_75 : memref<1x1x!tpu.dma_semaphore, #tpu.memory_space<semaphore_mem>> -> memref<!tpu.dma_semaphore, #tpu.memory_space<semaphore_mem>>
      %dma_start3A_77 = arith.constant 0 : i32
      %dma_start3A_78 = arith.constant 0 : i32
      %dma_start3A_79 = tpu.memref_slice %arg5[%dma_start3A, %dma_start3A_77, %dma_start3A_78] : memref<3x1024x2048xf32, #tpu.memory_space<vmem>> -> memref<1x256x2048xf32, #tpu.memory_space<vmem>>
      %dma_start3A_80 = tpu.memref_squeeze %dma_start3A_79 : memref<1x256x2048xf32, #tpu.memory_space<vmem>> -> memref<256x2048xf32, #tpu.memory_space<vmem>>
      %dma_start3A_81 = arith.constant 0 : i32
      %dma_start3A_82 = arith.constant 0 : i32
      %dma_start3A_83 = tpu.memref_slice %arg1[%dma_start3A_81, %dma_start3A_82] : memref<16384x2048xf32, #tpu.memory_space<any>> -> memref<256x2048xf32, #tpu.memory_space<any>>
      tpu.enqueue_dma source(%dma_start3A_83 : memref<256x2048xf32, #tpu.memory_space<any>>) target(%dma_start3A_80 : memref<256x2048xf32, #tpu.memory_space<vmem>>) target_semaphore(%dma_start3A_76 : memref<!tpu.dma_semaphore, #tpu.memory_space<semaphore_mem>>)
      %dma_start3A_84 = arith.constant 0 : i32
      %dma_start3A_85 = arith.constant 0 : i32
      %dma_start3A_86 = arith.constant 1 : i32
      %dma_start3A_87 = tpu.memref_slice %arg6[%dma_start3A_85, %dma_start3A_86] : memref<3x4x!tpu.dma_semaphore, #tpu.memory_space<semaphore_mem>> -> memref<1x1x!tpu.dma_semaphore, #tpu.memory_space<semaphore_mem>>
      %dma_start3A_88 = tpu.memref_squeeze %dma_start3A_87 : memref<1x1x!tpu.dma_semaphore, #tpu.memory_space<semaphore_mem>> -> memref<!tpu.dma_semaphore, #tpu.memory_space<semaphore_mem>>
      %dma_start3A_89 = arith.constant 256 : i32
      %dma_start3A_90 = arith.constant 0 : i32
      %dma_start3A_91 = tpu.memref_slice %arg5[%dma_start3A_84, %dma_start3A_89, %dma_start3A_90] : memref<3x1024x2048xf32, #tpu.memory_space<vmem>> -> memref<1x256x2048xf32, #tpu.memory_space<vmem>>
      %dma_start3A_92 = tpu.memref_squeeze %dma_start3A_91 : memref<1x256x2048xf32, #tpu.memory_space<vmem>> -> memref<256x2048xf32, #tpu.memory_space<vmem>>
      %dma_start3A_93 = arith.constant 256 : i32
      %dma_start3A_94 = arith.constant 0 : i32
      %dma_start3A_95 = tpu.memref_slice %arg1[%dma_start3A_93, %dma_start3A_94] : memref<16384x2048xf32, #tpu.memory_space<any>> -> memref<256x2048xf32, #tpu.memory_space<any>>
      tpu.enqueue_dma source(%dma_start3A_95 : memref<256x2048xf32, #tpu.memory_space<any>>) target(%dma_start3A_92 : memref<256x2048xf32, #tpu.memory_space<vmem>>) target_semaphore(%dma_start3A_88 : memref<!tpu.dma_semaphore, #tpu.memory_space<semaphore_mem>>)
      %dma_start3A_96 = arith.constant 0 : i32
      %dma_start3A_97 = arith.constant 0 : i32
      %dma_start3A_98 = arith.constant 2 : i32
      %dma_start3A_99 = tpu.memref_slice %arg6[%dma_start3A_97, %dma_start3A_98] : memref<3x4x!tpu.dma_semaphore, #tpu.memory_space<semaphore_mem>> -> memref<1x1x!tpu.dma_semaphore, #tpu.memory_space<semaphore_mem>>
      %dma_start3A_100 = tpu.memref_squeeze %dma_start3A_99 : memref<1x1x!tpu.dma_semaphore, #tpu.memory_space<semaphore_mem>> -> memref<!tpu.dma_semaphore, #tpu.memory_space<semaphore_mem>>
      %dma_start3A_101 = arith.constant 512 : i32
      %dma_start3A_102 = arith.constant 0 : i32
      %dma_start3A_103 = tpu.memref_slice %arg5[%dma_start3A_96, %dma_start3A_101, %dma_start3A_102] : memref<3x1024x2048xf32, #tpu.memory_space<vmem>> -> memref<1x256x2048xf32, #tpu.memory_space<vmem>>
      %dma_start3A_104 = tpu.memref_squeeze %dma_start3A_103 : memref<1x256x2048xf32, #tpu.memory_space<vmem>> -> memref<256x2048xf32, #tpu.memory_space<vmem>>
      %dma_start3A_105 = arith.constant 512 : i32
      %dma_start3A_106 = arith.constant 0 : i32
      %dma_start3A_107 = tpu.memref_slice %arg1[%dma_start3A_105, %dma_start3A_106] : memref<16384x2048xf32, #tpu.memory_space<any>> -> memref<256x2048xf32, #tpu.memory_space<any>>
      tpu.enqueue_dma source(%dma_start3A_107 : memref<256x2048xf32, #tpu.memory_space<any>>) target(%dma_start3A_104 : memref<256x2048xf32, #tpu.memory_space<vmem>>) target_semaphore(%dma_start3A_100 : memref<!tpu.dma_semaphore, #tpu.memory_space<semaphore_mem>>)
      %dma_start3A_108 = arith.constant 0 : i32
      %dma_start3A_109 = arith.constant 0 : i32
      %dma_start3A_110 = arith.constant 3 : i32
      %dma_start3A_111 = tpu.memref_slice %arg6[%dma_start3A_109, %dma_start3A_110] : memref<3x4x!tpu.dma_semaphore, #tpu.memory_space<semaphore_mem>> -> memref<1x1x!tpu.dma_semaphore, #tpu.memory_space<semaphore_mem>>
      %dma_start3A_112 = tpu.memref_squeeze %dma_start3A_111 : memref<1x1x!tpu.dma_semaphore, #tpu.memory_space<semaphore_mem>> -> memref<!tpu.dma_semaphore, #tpu.memory_space<semaphore_mem>>
      %dma_start3A_113 = arith.constant 768 : i32
      %dma_start3A_114 = arith.constant 0 : i32
      %dma_start3A_115 = tpu.memref_slice %arg5[%dma_start3A_108, %dma_start3A_113, %dma_start3A_114] : memref<3x1024x2048xf32, #tpu.memory_space<vmem>> -> memref<1x256x2048xf32, #tpu.memory_space<vmem>>
      %dma_start3A_116 = tpu.memref_squeeze %dma_start3A_115 : memref<1x256x2048xf32, #tpu.memory_space<vmem>> -> memref<256x2048xf32, #tpu.memory_space<vmem>>
      %dma_start3A_117 = arith.constant 768 : i32
      %dma_start3A_118 = arith.constant 0 : i32
      %dma_start3A_119 = tpu.memref_slice %arg1[%dma_start3A_117, %dma_start3A_118] : memref<16384x2048xf32, #tpu.memory_space<any>> -> memref<256x2048xf32, #tpu.memory_space<any>>
      tpu.enqueue_dma source(%dma_start3A_119 : memref<256x2048xf32, #tpu.memory_space<any>>) target(%dma_start3A_116 : memref<256x2048xf32, #tpu.memory_space<vmem>>) target_semaphore(%dma_start3A_112 : memref<!tpu.dma_semaphore, #tpu.memory_space<semaphore_mem>>)
      %dma_start3A_120 = arith.constant 1 : i32
      %dma_start3A_121 = arith.constant 1 : i32
      %dma_start3A_122 = arith.constant 0 : i32
      %dma_start3A_123 = tpu.memref_slice %arg6[%dma_start3A_121, %dma_start3A_122] : memref<3x4x!tpu.dma_semaphore, #tpu.memory_space<semaphore_mem>> -> memref<1x1x!tpu.dma_semaphore, #tpu.memory_space<semaphore_mem>>
      %dma_start3A_124 = tpu.memref_squeeze %dma_start3A_123 : memref<1x1x!tpu.dma_semaphore, #tpu.memory_space<semaphore_mem>> -> memref<!tpu.dma_semaphore, #tpu.memory_space<semaphore_mem>>
      %dma_start3A_125 = arith.constant 0 : i32
      %dma_start3A_126 = arith.constant 0 : i32
      %dma_start3A_127 = tpu.memref_slice %arg5[%dma_start3A_120, %dma_start3A_125, %dma_start3A_126] : memref<3x1024x2048xf32, #tpu.memory_space<vmem>> -> memref<1x256x2048xf32, #tpu.memory_space<vmem>>
      %dma_start3A_128 = tpu.memref_squeeze %dma_start3A_127 : memref<1x256x2048xf32, #tpu.memory_space<vmem>> -> memref<256x2048xf32, #tpu.memory_space<vmem>>
      %dma_start3A_129 = arith.constant 1024 : i32
      %dma_start3A_130 = arith.constant 0 : i32
      %dma_start3A_131 = tpu.memref_slice %arg1[%dma_start3A_129, %dma_start3A_130] : memref<16384x2048xf32, #tpu.memory_space<any>> -> memref<256x2048xf32, #tpu.memory_space<any>>
      tpu.enqueue_dma source(%dma_start3A_131 : memref<256x2048xf32, #tpu.memory_space<any>>) target(%dma_start3A_128 : memref<256x2048xf32, #tpu.memory_space<vmem>>) target_semaphore(%dma_start3A_124 : memref<!tpu.dma_semaphore, #tpu.memory_space<semaphore_mem>>)
      %dma_start3A_132 = arith.constant 1 : i32
      %dma_start3A_133 = arith.constant 1 : i32
      %dma_start3A_134 = arith.constant 1 : i32
      %dma_start3A_135 = tpu.memref_slice %arg6[%dma_start3A_133, %dma_start3A_134] : memref<3x4x!tpu.dma_semaphore, #tpu.memory_space<semaphore_mem>> -> memref<1x1x!tpu.dma_semaphore, #tpu.memory_space<semaphore_mem>>
      %dma_start3A_136 = tpu.memref_squeeze %dma_start3A_135 : memref<1x1x!tpu.dma_semaphore, #tpu.memory_space<semaphore_mem>> -> memref<!tpu.dma_semaphore, #tpu.memory_space<semaphore_mem>>
      %dma_start3A_137 = arith.constant 256 : i32
      %dma_start3A_138 = arith.constant 0 : i32
      %dma_start3A_139 = tpu.memref_slice %arg5[%dma_start3A_132, %dma_start3A_137, %dma_start3A_138] : memref<3x1024x2048xf32, #tpu.memory_space<vmem>> -> memref<1x256x2048xf32, #tpu.memory_space<vmem>>
      %dma_start3A_140 = tpu.memref_squeeze %dma_start3A_139 : memref<1x256x2048xf32, #tpu.memory_space<vmem>> -> memref<256x2048xf32, #tpu.memory_space<vmem>>
      %dma_start3A_141 = arith.constant 1280 : i32
      %dma_start3A_142 = arith.constant 0 : i32
      %dma_start3A_143 = tpu.memref_slice %arg1[%dma_start3A_141, %dma_start3A_142] : memref<16384x2048xf32, #tpu.memory_space<any>> -> memref<256x2048xf32, #tpu.memory_space<any>>
      tpu.enqueue_dma source(%dma_start3A_143 : memref<256x2048xf32, #tpu.memory_space<any>>) target(%dma_start3A_140 : memref<256x2048xf32, #tpu.memory_space<vmem>>) target_semaphore(%dma_start3A_136 : memref<!tpu.dma_semaphore, #tpu.memory_space<semaphore_mem>>)
      %dma_start3A_144 = arith.constant 1 : i32
      %dma_start3A_145 = arith.constant 1 : i32
      %dma_start3A_146 = arith.constant 2 : i32
      %dma_start3A_147 = tpu.memref_slice %arg6[%dma_start3A_145, %dma_start3A_146] : memref<3x4x!tpu.dma_semaphore, #tpu.memory_space<semaphore_mem>> -> memref<1x1x!tpu.dma_semaphore, #tpu.memory_space<semaphore_mem>>
      %dma_start3A_148 = tpu.memref_squeeze %dma_start3A_147 : memref<1x1x!tpu.dma_semaphore, #tpu.memory_space<semaphore_mem>> -> memref<!tpu.dma_semaphore, #tpu.memory_space<semaphore_mem>>
      %dma_start3A_149 = arith.constant 512 : i32
      %dma_start3A_150 = arith.constant 0 : i32
      %dma_start3A_151 = tpu.memref_slice %arg5[%dma_start3A_144, %dma_start3A_149, %dma_start3A_150] : memref<3x1024x2048xf32, #tpu.memory_space<vmem>> -> memref<1x256x2048xf32, #tpu.memory_space<vmem>>
      %dma_start3A_152 = tpu.memref_squeeze %dma_start3A_151 : memref<1x256x2048xf32, #tpu.memory_space<vmem>> -> memref<256x2048xf32, #tpu.memory_space<vmem>>
      %dma_start3A_153 = arith.constant 1536 : i32
      %dma_start3A_154 = arith.constant 0 : i32
      %dma_start3A_155 = tpu.memref_slice %arg1[%dma_start3A_153, %dma_start3A_154] : memref<16384x2048xf32, #tpu.memory_space<any>> -> memref<256x2048xf32, #tpu.memory_space<any>>
      tpu.enqueue_dma source(%dma_start3A_155 : memref<256x2048xf32, #tpu.memory_space<any>>) target(%dma_start3A_152 : memref<256x2048xf32, #tpu.memory_space<vmem>>) target_semaphore(%dma_start3A_148 : memref<!tpu.dma_semaphore, #tpu.memory_space<semaphore_mem>>)
      %dma_start3A_156 = arith.constant 1 : i32
      %dma_start3A_157 = arith.constant 1 : i32
      %dma_start3A_158 = arith.constant 3 : i32
      %dma_start3A_159 = tpu.memref_slice %arg6[%dma_start3A_157, %dma_start3A_158] : memref<3x4x!tpu.dma_semaphore, #tpu.memory_space<semaphore_mem>> -> memref<1x1x!tpu.dma_semaphore, #tpu.memory_space<semaphore_mem>>
      %dma_start3A_160 = tpu.memref_squeeze %dma_start3A_159 : memref<1x1x!tpu.dma_semaphore, #tpu.memory_space<semaphore_mem>> -> memref<!tpu.dma_semaphore, #tpu.memory_space<semaphore_mem>>
      %dma_start3A_161 = arith.constant 768 : i32
      %dma_start3A_162 = arith.constant 0 : i32
      %dma_start3A_163 = tpu.memref_slice %arg5[%dma_start3A_156, %dma_start3A_161, %dma_start3A_162] : memref<3x1024x2048xf32, #tpu.memory_space<vmem>> -> memref<1x256x2048xf32, #tpu.memory_space<vmem>>
      %dma_start3A_164 = tpu.memref_squeeze %dma_start3A_163 : memref<1x256x2048xf32, #tpu.memory_space<vmem>> -> memref<256x2048xf32, #tpu.memory_space<vmem>>
      %dma_start3A_165 = arith.constant 1792 : i32
      %dma_start3A_166 = arith.constant 0 : i32
      %dma_start3A_167 = tpu.memref_slice %arg1[%dma_start3A_165, %dma_start3A_166] : memref<16384x2048xf32, #tpu.memory_space<any>> -> memref<256x2048xf32, #tpu.memory_space<any>>
      tpu.enqueue_dma source(%dma_start3A_167 : memref<256x2048xf32, #tpu.memory_space<any>>) target(%dma_start3A_164 : memref<256x2048xf32, #tpu.memory_space<vmem>>) target_semaphore(%dma_start3A_160 : memref<!tpu.dma_semaphore, #tpu.memory_space<semaphore_mem>>)
      %dma_start3A_168 = arith.constant 2 : i32
      %dma_start3A_169 = arith.constant 2 : i32
      %dma_start3A_170 = arith.constant 0 : i32
      %dma_start3A_171 = tpu.memref_slice %arg6[%dma_start3A_169, %dma_start3A_170] : memref<3x4x!tpu.dma_semaphore, #tpu.memory_space<semaphore_mem>> -> memref<1x1x!tpu.dma_semaphore, #tpu.memory_space<semaphore_mem>>
      %dma_start3A_172 = tpu.memref_squeeze %dma_start3A_171 : memref<1x1x!tpu.dma_semaphore, #tpu.memory_space<semaphore_mem>> -> memref<!tpu.dma_semaphore, #tpu.memory_space<semaphore_mem>>
      %dma_start3A_173 = arith.constant 0 : i32
      %dma_start3A_174 = arith.constant 0 : i32
      %dma_start3A_175 = tpu.memref_slice %arg5[%dma_start3A_168, %dma_start3A_173, %dma_start3A_174] : memref<3x1024x2048xf32, #tpu.memory_space<vmem>> -> memref<1x256x2048xf32, #tpu.memory_space<vmem>>
      %dma_start3A_176 = tpu.memref_squeeze %dma_start3A_175 : memref<1x256x2048xf32, #tpu.memory_space<vmem>> -> memref<256x2048xf32, #tpu.memory_space<vmem>>
      %dma_start3A_177 = arith.constant 2048 : i32
      %dma_start3A_178 = arith.constant 0 : i32
      %dma_start3A_179 = tpu.memref_slice %arg1[%dma_start3A_177, %dma_start3A_178] : memref<16384x2048xf32, #tpu.memory_space<any>> -> memref<256x2048xf32, #tpu.memory_space<any>>
      tpu.enqueue_dma source(%dma_start3A_179 : memref<256x2048xf32, #tpu.memory_space<any>>) target(%dma_start3A_176 : memref<256x2048xf32, #tpu.memory_space<vmem>>) target_semaphore(%dma_start3A_172 : memref<!tpu.dma_semaphore, #tpu.memory_space<semaphore_mem>>)
      %dma_start3A_180 = arith.constant 2 : i32
      %dma_start3A_181 = arith.constant 2 : i32
      %dma_start3A_182 = arith.constant 1 : i32
      %dma_start3A_183 = tpu.memref_slice %arg6[%dma_start3A_181, %dma_start3A_182] : memref<3x4x!tpu.dma_semaphore, #tpu.memory_space<semaphore_mem>> -> memref<1x1x!tpu.dma_semaphore, #tpu.memory_space<semaphore_mem>>
      %dma_start3A_184 = tpu.memref_squeeze %dma_start3A_183 : memref<1x1x!tpu.dma_semaphore, #tpu.memory_space<semaphore_mem>> -> memref<!tpu.dma_semaphore, #tpu.memory_space<semaphore_mem>>
      %dma_start3A_185 = arith.constant 256 : i32
      %dma_start3A_186 = arith.constant 0 : i32
      %dma_start3A_187 = tpu.memref_slice %arg5[%dma_start3A_180, %dma_start3A_185, %dma_start3A_186] : memref<3x1024x2048xf32, #tpu.memory_space<vmem>> -> memref<1x256x2048xf32, #tpu.memory_space<vmem>>
      %dma_start3A_188 = tpu.memref_squeeze %dma_start3A_187 : memref<1x256x2048xf32, #tpu.memory_space<vmem>> -> memref<256x2048xf32, #tpu.memory_space<vmem>>
      %dma_start3A_189 = arith.constant 2304 : i32
      %dma_start3A_190 = arith.constant 0 : i32
      %dma_start3A_191 = tpu.memref_slice %arg1[%dma_start3A_189, %dma_start3A_190] : memref<16384x2048xf32, #tpu.memory_space<any>> -> memref<256x2048xf32, #tpu.memory_space<any>>
      tpu.enqueue_dma source(%dma_start3A_191 : memref<256x2048xf32, #tpu.memory_space<any>>) target(%dma_start3A_188 : memref<256x2048xf32, #tpu.memory_space<vmem>>) target_semaphore(%dma_start3A_184 : memref<!tpu.dma_semaphore, #tpu.memory_space<semaphore_mem>>)
      %dma_start3A_192 = arith.constant 2 : i32
      %dma_start3A_193 = arith.constant 2 : i32
      %dma_start3A_194 = arith.constant 2 : i32
      %dma_start3A_195 = tpu.memref_slice %arg6[%dma_start3A_193, %dma_start3A_194] : memref<3x4x!tpu.dma_semaphore, #tpu.memory_space<semaphore_mem>> -> memref<1x1x!tpu.dma_semaphore, #tpu.memory_space<semaphore_mem>>
      %dma_start3A_196 = tpu.memref_squeeze %dma_start3A_195 : memref<1x1x!tpu.dma_semaphore, #tpu.memory_space<semaphore_mem>> -> memref<!tpu.dma_semaphore, #tpu.memory_space<semaphore_mem>>
      %dma_start3A_197 = arith.constant 512 : i32
      %dma_start3A_198 = arith.constant 0 : i32
      %dma_start3A_199 = tpu.memref_slice %arg5[%dma_start3A_192, %dma_start3A_197, %dma_start3A_198] : memref<3x1024x2048xf32, #tpu.memory_space<vmem>> -> memref<1x256x2048xf32, #tpu.memory_space<vmem>>
      %dma_start3A_200 = tpu.memref_squeeze %dma_start3A_199 : memref<1x256x2048xf32, #tpu.memory_space<vmem>> -> memref<256x2048xf32, #tpu.memory_space<vmem>>
      %dma_start3A_201 = arith.constant 2560 : i32
      %dma_start3A_202 = arith.constant 0 : i32
      %dma_start3A_203 = tpu.memref_slice %arg1[%dma_start3A_201, %dma_start3A_202] : memref<16384x2048xf32, #tpu.memory_space<any>> -> memref<256x2048xf32, #tpu.memory_space<any>>
      tpu.enqueue_dma source(%dma_start3A_203 : memref<256x2048xf32, #tpu.memory_space<any>>) target(%dma_start3A_200 : memref<256x2048xf32, #tpu.memory_space<vmem>>) target_semaphore(%dma_start3A_196 : memref<!tpu.dma_semaphore, #tpu.memory_space<semaphore_mem>>)
      %dma_start3A_204 = arith.constant 2 : i32
      %dma_start3A_205 = arith.constant 2 : i32
      %dma_start3A_206 = arith.constant 3 : i32
      %dma_start3A_207 = tpu.memref_slice %arg6[%dma_start3A_205, %dma_start3A_206] : memref<3x4x!tpu.dma_semaphore, #tpu.memory_space<semaphore_mem>> -> memref<1x1x!tpu.dma_semaphore, #tpu.memory_space<semaphore_mem>>
      %dma_start3A_208 = tpu.memref_squeeze %dma_start3A_207 : memref<1x1x!tpu.dma_semaphore, #tpu.memory_space<semaphore_mem>> -> memref<!tpu.dma_semaphore, #tpu.memory_space<semaphore_mem>>
      %dma_start3A_209 = arith.constant 768 : i32
      %dma_start3A_210 = arith.constant 0 : i32
      %dma_start3A_211 = tpu.memref_slice %arg5[%dma_start3A_204, %dma_start3A_209, %dma_start3A_210] : memref<3x1024x2048xf32, #tpu.memory_space<vmem>> -> memref<1x256x2048xf32, #tpu.memory_space<vmem>>
      %dma_start3A_212 = tpu.memref_squeeze %dma_start3A_211 : memref<1x256x2048xf32, #tpu.memory_space<vmem>> -> memref<256x2048xf32, #tpu.memory_space<vmem>>
      %dma_start3A_213 = arith.constant 2816 : i32
      %dma_start3A_214 = arith.constant 0 : i32
      %dma_start3A_215 = tpu.memref_slice %arg1[%dma_start3A_213, %dma_start3A_214] : memref<16384x2048xf32, #tpu.memory_space<any>> -> memref<256x2048xf32, #tpu.memory_space<any>>
      tpu.enqueue_dma source(%dma_start3A_215 : memref<256x2048xf32, #tpu.memory_space<any>>) target(%dma_start3A_212 : memref<256x2048xf32, #tpu.memory_space<vmem>>) target_semaphore(%dma_start3A_208 : memref<!tpu.dma_semaphore, #tpu.memory_space<semaphore_mem>>)
    } else {
    }
    %rem3A = arith.constant 3 : i32
    %rem3A_2 = arith.remsi %arg0, %rem3A : i32
    %mul3A = arith.constant 1024 : i32
    %mul3A_3 = arith.muli %arg0, %mul3A : i32
    %add3A = arith.constant 0 : i32
    %add3A_4 = arith.addi %mul3A_3, %add3A : i32
    %dma_wait3A = arith.constant 0 : i32
    %dma_wait3A_5 = tpu.memref_slice %arg6[%rem3A_2, %dma_wait3A] : memref<3x4x!tpu.dma_semaphore, #tpu.memory_space<semaphore_mem>> -> memref<1x1x!tpu.dma_semaphore, #tpu.memory_space<semaphore_mem>>
    %dma_wait3A_6 = tpu.memref_squeeze %dma_wait3A_5 : memref<1x1x!tpu.dma_semaphore, #tpu.memory_space<semaphore_mem>> -> memref<!tpu.dma_semaphore, #tpu.memory_space<semaphore_mem>>
    %dma_wait3A_7 = arith.constant 0 : i32
    %dma_wait3A_8 = arith.constant 0 : i32
    %dma_wait3A_9 = tpu.memref_slice %arg5[%rem3A_2, %dma_wait3A_7, %dma_wait3A_8] : memref<3x1024x2048xf32, #tpu.memory_space<vmem>> -> memref<1x256x2048xf32, #tpu.memory_space<vmem>>
    %dma_wait3A_10 = tpu.memref_squeeze %dma_wait3A_9 : memref<1x256x2048xf32, #tpu.memory_space<vmem>> -> memref<256x2048xf32, #tpu.memory_space<vmem>>
    %dma_wait3A_11 = arith.constant 0 : i32
    %dma_wait3A_12 = tpu.memref_slice %arg1[%add3A_4, %dma_wait3A_11] : memref<16384x2048xf32, #tpu.memory_space<any>> -> memref<256x2048xf32, #tpu.memory_space<any>>
    tpu.wait_dma2 semaphore(%dma_wait3A_6 : memref<!tpu.dma_semaphore, #tpu.memory_space<semaphore_mem>>) src(%dma_wait3A_12 : memref<256x2048xf32, #tpu.memory_space<any>>) dst(%dma_wait3A_10 : memref<256x2048xf32, #tpu.memory_space<vmem>>)
    %mul3A_13 = arith.constant 1024 : i32
    %mul3A_14 = arith.muli %arg0, %mul3A_13 : i32
    %add3A_15 = arith.constant 256 : i32
    %add3A_16 = arith.addi %mul3A_14, %add3A_15 : i32
    %dma_wait3A_17 = arith.constant 1 : i32
    %dma_wait3A_18 = tpu.memref_slice %arg6[%rem3A_2, %dma_wait3A_17] : memref<3x4x!tpu.dma_semaphore, #tpu.memory_space<semaphore_mem>> -> memref<1x1x!tpu.dma_semaphore, #tpu.memory_space<semaphore_mem>>
    %dma_wait3A_19 = tpu.memref_squeeze %dma_wait3A_18 : memref<1x1x!tpu.dma_semaphore, #tpu.memory_space<semaphore_mem>> -> memref<!tpu.dma_semaphore, #tpu.memory_space<semaphore_mem>>
    %dma_wait3A_20 = arith.constant 256 : i32
    %dma_wait3A_21 = arith.constant 0 : i32
    %dma_wait3A_22 = tpu.memref_slice %arg5[%rem3A_2, %dma_wait3A_20, %dma_wait3A_21] : memref<3x1024x2048xf32, #tpu.memory_space<vmem>> -> memref<1x256x2048xf32, #tpu.memory_space<vmem>>
    %dma_wait3A_23 = tpu.memref_squeeze %dma_wait3A_22 : memref<1x256x2048xf32, #tpu.memory_space<vmem>> -> memref<256x2048xf32, #tpu.memory_space<vmem>>
    %dma_wait3A_24 = arith.constant 0 : i32
    %dma_wait3A_25 = tpu.memref_slice %arg1[%add3A_16, %dma_wait3A_24] : memref<16384x2048xf32, #tpu.memory_space<any>> -> memref<256x2048xf32, #tpu.memory_space<any>>
    tpu.wait_dma2 semaphore(%dma_wait3A_19 : memref<!tpu.dma_semaphore, #tpu.memory_space<semaphore_mem>>) src(%dma_wait3A_25 : memref<256x2048xf32, #tpu.memory_space<any>>) dst(%dma_wait3A_23 : memref<256x2048xf32, #tpu.memory_space<vmem>>)
    %mul3A_26 = arith.constant 1024 : i32
    %mul3A_27 = arith.muli %arg0, %mul3A_26 : i32
    %add3A_28 = arith.constant 512 : i32
    %add3A_29 = arith.addi %mul3A_27, %add3A_28 : i32
    %dma_wait3A_30 = arith.constant 2 : i32
    %dma_wait3A_31 = tpu.memref_slice %arg6[%rem3A_2, %dma_wait3A_30] : memref<3x4x!tpu.dma_semaphore, #tpu.memory_space<semaphore_mem>> -> memref<1x1x!tpu.dma_semaphore, #tpu.memory_space<semaphore_mem>>
    %dma_wait3A_32 = tpu.memref_squeeze %dma_wait3A_31 : memref<1x1x!tpu.dma_semaphore, #tpu.memory_space<semaphore_mem>> -> memref<!tpu.dma_semaphore, #tpu.memory_space<semaphore_mem>>
    %dma_wait3A_33 = arith.constant 512 : i32
    %dma_wait3A_34 = arith.constant 0 : i32
    %dma_wait3A_35 = tpu.memref_slice %arg5[%rem3A_2, %dma_wait3A_33, %dma_wait3A_34] : memref<3x1024x2048xf32, #tpu.memory_space<vmem>> -> memref<1x256x2048xf32, #tpu.memory_space<vmem>>
    %dma_wait3A_36 = tpu.memref_squeeze %dma_wait3A_35 : memref<1x256x2048xf32, #tpu.memory_space<vmem>> -> memref<256x2048xf32, #tpu.memory_space<vmem>>
    %dma_wait3A_37 = arith.constant 0 : i32
    %dma_wait3A_38 = tpu.memref_slice %arg1[%add3A_29, %dma_wait3A_37] : memref<16384x2048xf32, #tpu.memory_space<any>> -> memref<256x2048xf32, #tpu.memory_space<any>>
    tpu.wait_dma2 semaphore(%dma_wait3A_32 : memref<!tpu.dma_semaphore, #tpu.memory_space<semaphore_mem>>) src(%dma_wait3A_38 : memref<256x2048xf32, #tpu.memory_space<any>>) dst(%dma_wait3A_36 : memref<256x2048xf32, #tpu.memory_space<vmem>>)
    %mul3A_39 = arith.constant 1024 : i32
    %mul3A_40 = arith.muli %arg0, %mul3A_39 : i32
    %add3A_41 = arith.constant 768 : i32
    %add3A_42 = arith.addi %mul3A_40, %add3A_41 : i32
    %dma_wait3A_43 = arith.constant 3 : i32
    %dma_wait3A_44 = tpu.memref_slice %arg6[%rem3A_2, %dma_wait3A_43] : memref<3x4x!tpu.dma_semaphore, #tpu.memory_space<semaphore_mem>> -> memref<1x1x!tpu.dma_semaphore, #tpu.memory_space<semaphore_mem>>
    %dma_wait3A_45 = tpu.memref_squeeze %dma_wait3A_44 : memref<1x1x!tpu.dma_semaphore, #tpu.memory_space<semaphore_mem>> -> memref<!tpu.dma_semaphore, #tpu.memory_space<semaphore_mem>>
    %dma_wait3A_46 = arith.constant 768 : i32
    %dma_wait3A_47 = arith.constant 0 : i32
    %dma_wait3A_48 = tpu.memref_slice %arg5[%rem3A_2, %dma_wait3A_46, %dma_wait3A_47] : memref<3x1024x2048xf32, #tpu.memory_space<vmem>> -> memref<1x256x2048xf32, #tpu.memory_space<vmem>>
    %dma_wait3A_49 = tpu.memref_squeeze %dma_wait3A_48 : memref<1x256x2048xf32, #tpu.memory_space<vmem>> -> memref<256x2048xf32, #tpu.memory_space<vmem>>
    %dma_wait3A_50 = arith.constant 0 : i32
    %dma_wait3A_51 = tpu.memref_slice %arg1[%add3A_42, %dma_wait3A_50] : memref<16384x2048xf32, #tpu.memory_space<any>> -> memref<256x2048xf32, #tpu.memory_space<any>>
    tpu.wait_dma2 semaphore(%dma_wait3A_45 : memref<!tpu.dma_semaphore, #tpu.memory_space<semaphore_mem>>) src(%dma_wait3A_51 : memref<256x2048xf32, #tpu.memory_space<any>>) dst(%dma_wait3A_49 : memref<256x2048xf32, #tpu.memory_space<vmem>>)
    %get3A = arith.index_cast %rem3A_2 : i32 to index
    %get3A_52 = arith.constant 0 : index
    %get3A_53 = arith.constant 0 : index
    %get3A_54 = vector.load %arg5[%get3A, %get3A_52, %get3A_53] : memref<3x1024x2048xf32, #tpu.memory_space<vmem>>, vector<1x1024x2048xf32>
    %get3A_55 = vector.shape_cast %get3A_54 : vector<1x1024x2048xf32> to vector<1024x2048xf32>
    %get3A_56 = arith.constant 0 : index
    %get3A_57 = arith.constant 0 : index
    %get3A_58 = vector.load %arg2[%get3A_56, %get3A_57] : memref<16x2048xf32, #tpu.memory_space<vmem>>, vector<16x2048xf32>
    %dot_general3A = arith.constant dense<0.000000e+00> : vector<1024x16xf32>
    %dot_general3A_59 = tpu.matmul %get3A_55, %get3A_58, %dot_general3A {dimension_numbers = #tpu.dot_dimension_numbers<[1], [1], [0], [0], [0, 0, 1, 0], [], []>, transpose_lhs_hint = false} : vector<1024x2048xf32>, vector<16x2048xf32>, vector<1024x16xf32> -> vector<1024x16xf32>
    %get3A_60 = arith.constant 0 : index
    %get3A_61 = arith.constant 0 : index
    %get3A_62 = vector.load %arg3[%get3A_60, %get3A_61] : memref<1x16xf32, #tpu.memory_space<vmem>>, vector<1x16xf32>
    %add3A_63 = vector.broadcast %get3A_62 : vector<1x16xf32> to vector<1024x16xf32>
    %add3A_64 = arith.addf %dot_general3A_59, %add3A_63 : vector<1024x16xf32>
    %swap3A = arith.constant 0 : index
    %swap3A_65 = arith.constant 0 : index
    %swap3A_66 = vector.load %arg4[%swap3A, %swap3A_65] : memref<1024x16xf32, #tpu.memory_space<vmem>>, vector<1024x16xf32>
    tpu.vector_store %arg4[%swap3A, %swap3A_65], %add3A_64 {strides = array<i32>} : memref<1024x16xf32, #tpu.memory_space<vmem>>, vector<1024x16xf32>,
    %add3A_67 = arith.constant 3 : i32
    %add3A_68 = arith.addi %arg0, %add3A_67 : i32
    %lt3A = arith.constant 16 : i32
    %lt3A_69 = arith.cmpi slt, %add3A_68, %lt3A : i32
    %convert_element_type3A_70 = arith.extui %lt3A_69 : i1 to i32
    %cond3A_71 = arith.constant 0 : i32
    %cond3A_72 = arith.cmpi ne, %convert_element_type3A_70, %cond3A_71 : i32
    scf.if %cond3A_72 {
      %add3A_73 = arith.constant 3 : i32
      %add3A_74 = arith.addi %arg0, %add3A_73 : i32
      %mul3A_75 = arith.constant 1024 : i32
      %mul3A_76 = arith.muli %add3A_74, %mul3A_75 : i32
      %add3A_77 = arith.constant 0 : i32
      %add3A_78 = arith.addi %mul3A_76, %add3A_77 : i32
      %dma_start3A = arith.constant 0 : i32
      %dma_start3A_79 = tpu.memref_slice %arg6[%rem3A_2, %dma_start3A] : memref<3x4x!tpu.dma_semaphore, #tpu.memory_space<semaphore_mem>> -> memref<1x1x!tpu.dma_semaphore, #tpu.memory_space<semaphore_mem>>
      %dma_start3A_80 = tpu.memref_squeeze %dma_start3A_79 : memref<1x1x!tpu.dma_semaphore, #tpu.memory_space<semaphore_mem>> -> memref<!tpu.dma_semaphore, #tpu.memory_space<semaphore_mem>>
      %dma_start3A_81 = arith.constant 0 : i32
      %dma_start3A_82 = arith.constant 0 : i32
      %dma_start3A_83 = tpu.memref_slice %arg5[%rem3A_2, %dma_start3A_81, %dma_start3A_82] : memref<3x1024x2048xf32, #tpu.memory_space<vmem>> -> memref<1x256x2048xf32, #tpu.memory_space<vmem>>
      %dma_start3A_84 = tpu.memref_squeeze %dma_start3A_83 : memref<1x256x2048xf32, #tpu.memory_space<vmem>> -> memref<256x2048xf32, #tpu.memory_space<vmem>>
      %dma_start3A_85 = arith.constant 0 : i32
      %dma_start3A_86 = tpu.memref_slice %arg1[%add3A_78, %dma_start3A_85] : memref<16384x2048xf32, #tpu.memory_space<any>> -> memref<256x2048xf32, #tpu.memory_space<any>>
      tpu.enqueue_dma source(%dma_start3A_86 : memref<256x2048xf32, #tpu.memory_space<any>>) target(%dma_start3A_84 : memref<256x2048xf32, #tpu.memory_space<vmem>>) target_semaphore(%dma_start3A_80 : memref<!tpu.dma_semaphore, #tpu.memory_space<semaphore_mem>>)
      %mul3A_87 = arith.constant 1024 : i32
      %mul3A_88 = arith.muli %add3A_74, %mul3A_87 : i32
      %add3A_89 = arith.constant 256 : i32
      %add3A_90 = arith.addi %mul3A_88, %add3A_89 : i32
      %dma_start3A_91 = arith.constant 1 : i32
      %dma_start3A_92 = tpu.memref_slice %arg6[%rem3A_2, %dma_start3A_91] : memref<3x4x!tpu.dma_semaphore, #tpu.memory_space<semaphore_mem>> -> memref<1x1x!tpu.dma_semaphore, #tpu.memory_space<semaphore_mem>>
      %dma_start3A_93 = tpu.memref_squeeze %dma_start3A_92 : memref<1x1x!tpu.dma_semaphore, #tpu.memory_space<semaphore_mem>> -> memref<!tpu.dma_semaphore, #tpu.memory_space<semaphore_mem>>
      %dma_start3A_94 = arith.constant 256 : i32
      %dma_start3A_95 = arith.constant 0 : i32
      %dma_start3A_96 = tpu.memref_slice %arg5[%rem3A_2, %dma_start3A_94, %dma_start3A_95] : memref<3x1024x2048xf32, #tpu.memory_space<vmem>> -> memref<1x256x2048xf32, #tpu.memory_space<vmem>>
      %dma_start3A_97 = tpu.memref_squeeze %dma_start3A_96 : memref<1x256x2048xf32, #tpu.memory_space<vmem>> -> memref<256x2048xf32, #tpu.memory_space<vmem>>
      %dma_start3A_98 = arith.constant 0 : i32
      %dma_start3A_99 = tpu.memref_slice %arg1[%add3A_90, %dma_start3A_98] : memref<16384x2048xf32, #tpu.memory_space<any>> -> memref<256x2048xf32, #tpu.memory_space<any>>
      tpu.enqueue_dma source(%dma_start3A_99 : memref<256x2048xf32, #tpu.memory_space<any>>) target(%dma_start3A_97 : memref<256x2048xf32, #tpu.memory_space<vmem>>) target_semaphore(%dma_start3A_93 : memref<!tpu.dma_semaphore, #tpu.memory_space<semaphore_mem>>)
      %mul3A_100 = arith.constant 1024 : i32
      %mul3A_101 = arith.muli %add3A_74, %mul3A_100 : i32
      %add3A_102 = arith.constant 512 : i32
      %add3A_103 = arith.addi %mul3A_101, %add3A_102 : i32
      %dma_start3A_104 = arith.constant 2 : i32
      %dma_start3A_105 = tpu.memref_slice %arg6[%rem3A_2, %dma_start3A_104] : memref<3x4x!tpu.dma_semaphore, #tpu.memory_space<semaphore_mem>> -> memref<1x1x!tpu.dma_semaphore, #tpu.memory_space<semaphore_mem>>
      %dma_start3A_106 = tpu.memref_squeeze %dma_start3A_105 : memref<1x1x!tpu.dma_semaphore, #tpu.memory_space<semaphore_mem>> -> memref<!tpu.dma_semaphore, #tpu.memory_space<semaphore_mem>>
      %dma_start3A_107 = arith.constant 512 : i32
      %dma_start3A_108 = arith.constant 0 : i32
      %dma_start3A_109 = tpu.memref_slice %arg5[%rem3A_2, %dma_start3A_107, %dma_start3A_108] : memref<3x1024x2048xf32, #tpu.memory_space<vmem>> -> memref<1x256x2048xf32, #tpu.memory_space<vmem>>
      %dma_start3A_110 = tpu.memref_squeeze %dma_start3A_109 : memref<1x256x2048xf32, #tpu.memory_space<vmem>> -> memref<256x2048xf32, #tpu.memory_space<vmem>>
      %dma_start3A_111 = arith.constant 0 : i32
      %dma_start3A_112 = tpu.memref_slice %arg1[%add3A_103, %dma_start3A_111] : memref<16384x2048xf32, #tpu.memory_space<any>> -> memref<256x2048xf32, #tpu.memory_space<any>>
      tpu.enqueue_dma source(%dma_start3A_112 : memref<256x2048xf32, #tpu.memory_space<any>>) target(%dma_start3A_110 : memref<256x2048xf32, #tpu.memory_space<vmem>>) target_semaphore(%dma_start3A_106 : memref<!tpu.dma_semaphore, #tpu.memory_space<semaphore_mem>>)
      %mul3A_113 = arith.constant 1024 : i32
      %mul3A_114 = arith.muli %add3A_74, %mul3A_113 : i32
      %add3A_115 = arith.constant 768 : i32
      %add3A_116 = arith.addi %mul3A_114, %add3A_115 : i32
      %dma_start3A_117 = arith.constant 3 : i32
      %dma_start3A_118 = tpu.memref_slice %arg6[%rem3A_2, %dma_start3A_117] : memref<3x4x!tpu.dma_semaphore, #tpu.memory_space<semaphore_mem>> -> memref<1x1x!tpu.dma_semaphore, #tpu.memory_space<semaphore_mem>>
      %dma_start3A_119 = tpu.memref_squeeze %dma_start3A_118 : memref<1x1x!tpu.dma_semaphore, #tpu.memory_space<semaphore_mem>> -> memref<!tpu.dma_semaphore, #tpu.memory_space<semaphore_mem>>
      %dma_start3A_120 = arith.constant 768 : i32
      %dma_start3A_121 = arith.constant 0 : i32
      %dma_start3A_122 = tpu.memref_slice %arg5[%rem3A_2, %dma_start3A_120, %dma_start3A_121] : memref<3x1024x2048xf32, #tpu.memory_space<vmem>> -> memref<1x256x2048xf32, #tpu.memory_space<vmem>>
      %dma_start3A_123 = tpu.memref_squeeze %dma_start3A_122 : memref<1x256x2048xf32, #tpu.memory_space<vmem>> -> memref<256x2048xf32, #tpu.memory_space<vmem>>
      %dma_start3A_124 = arith.constant 0 : i32
      %dma_start3A_125 = tpu.memref_slice %arg1[%add3A_116, %dma_start3A_124] : memref<16384x2048xf32, #tpu.memory_space<any>> -> memref<256x2048xf32, #tpu.memory_space<any>>
      tpu.enqueue_dma source(%dma_start3A_125 : memref<256x2048xf32, #tpu.memory_space<any>>) target(%dma_start3A_123 : memref<256x2048xf32, #tpu.memory_space<vmem>>) target_semaphore(%dma_start3A_119 : memref<!tpu.dma_semaphore, #tpu.memory_space<semaphore_mem>>)
    } else {
    }
    return
  }
  func.func @transform_1(%arg0: i32) -> (i32, i32) {
    %c0_i32 = arith.constant 0 : i32
    %c0_i32_0 = arith.constant 0 : i32
    %c0_i32_1 = arith.constant 0 : i32
    return %c0_i32, %c0_i32_0 : i32, i32
  }
  func.func @transform_2(%arg0: i32) -> (i32, i32) {
    %c0_i32 = arith.constant 0 : i32
    %c0_i32_0 = arith.constant 0 : i32
    %c0_i32_1 = arith.constant 0 : i32
    return %c0_i32, %c0_i32_0 : i32, i32
  }
  func.func @transform_3(%arg0: i32) -> (i32, i32) {
    %c0_i32 = arith.constant 0 : i32
    %c0_i32_0 = arith.constant 0 : i32
    return %arg0, %c0_i32 : i32, i32
  }
}

</mosaic_0001>

<sc_bundles>
// kernel: kernel.4.cloned.1.call-start
scs
__scs_entry_jumppad:
0x0: {  	(pc) =	sbr.rel $0x88, $3  }
0x1: {  	(tag) =	ssettag $0x0;
	lr =	simm.s32 $0x1  }
0x2: {  	[smem:$0x3F9E] =	sst lr;
	_ =	strace $0xD0000000  }
0x3: {  	_ = 	snop  }
0x4: {  	_ = 	snop  }
0x5: {  	_ = 	snop  }
0x6: {  	_ = 	snop  }
0x7: {  	_ = 	snop  }
__scs_overlays_trampoline_lowered:
0x8: {  	[smem:$0x3FAD] =	sst s0  }
0x9: {  	[smem:$0x3FAE] =	sst s1  }
0xa: {  	[smem:$0x3FAF] =	sst s2  }
0xb: {  	[smem:$0x3FB0] =	sst s3  }
0xc: {  	[smem:$0x3FB1] =	sst s4  }
0xd: {  	[smem:$0x3FB2] =	sst s5  }
0xe: {  	[smem:$0x3FB3] =	sst s6  }
0xf: {  	[smem:$0x3FB4] =	sst s7  }
0x10: {  	[smem:$0x3FB5] =	sst s8  }
0x11: {  	[smem:$0x3FB6] =	sst s9;
	s0 =	simm.s32 @!p0 $0x0  }
0x12: {  	s1 =	sld [smem:$0x3F9C];
	s0 =	simm.s32 @p0 $0x1  }
0x13: {  	[smem:$0x3FB7] =	sst s0;
	s0 =	simm.s32 @!p1 $0x0  }
0x14: {  	s2 =	sld [smem:$0x3F9B];
	s0 =	simm.s32 @p1 $0x1  }
0x15: {  	[smem:$0x3FB8] =	sst s0;
	s0 =	simm.s32 @!p2 $0x0  }
0x16: {  	s3 =	sld [smem:$0x3FDB];
	s0 =	simm.s32 @p2 $0x1  }
0x17: {  	s4 =	simm.s32 $0x1BF5;
	[smem:$0x3FBA] =	sst s0  }
0x18: {  	s0 =	sld [smem:$0x3F9D];
	_ =	swait.ge [sflag:s4], $0x0  }
0x19: {  	s7 =	sld [smem:$0x3F9E]  }
0x1a: {  	s8 =	sadd.s32 $0xFFFFE003, lr  }
0x1b: {  	s9 =	sadd.s32 $0xFFFFFEF7, lr;
	s5 =	simm.s32 $0xFFFFFFFF;
	p2 =	slt.u32 s8, $0xFFFFF086  }
0x1c: {  	p1 =	slt.u32 s9, $0xF7A;
	s5 =	simm.s32 @!p2 $0x0  }
0x1d: {  	s5 =	simm.s32 @p1 $0x1;
	p0 =	seq.s32 s7, s2  }
0x1e: {  	s7 =	smul.u32 @!p0 $0xF7A, s2;
	p2 =	seq.s32 @!p0 s5, $0x0  }
0x1f: {  	s9 =	smul.u32 $0xF7A, s1;
	s8 =	simm.s32 @!p0 $0x1BF5;
	p2 =	por !p2, p0  }
0x20: {  	[sflag:s8] =	ssyncset.s32 @!p0 $0xFFFFF086;
	s6 =	sadd.s32 @!p0 s3, s7;
	s7 =	simm.s32 @!p0 $0x108  }
0x21: {  	s3 =	sadd.s32 s3, s9;
	s6 =	sadd.s32 @!p0 $0x88, s6;
	s7 =	simm.s32 @p2 $0x1082  }
0x22: {  	[simem:s7], [sflag:s8] =	dma.local @!p0 [hbm:s6], $0xF7A  }
0x23: {  	s9 =	sor.u32 $0xD0000000, s2;
	s6 =	simm.s32 $0x108;
	_ =	swait.ge @!p0 [sflag:s8], $0x0  }
0x24: {  	s3 =	sadd.s32 $0x88, s3;
	s6 =	simm.s32 @!p1 $0x1082;
	[sflag:s4] =	ssyncset.s32 $0xFFFFF086  }
0x25: {  	[simem:s6], [sflag:s4] =	dma.local [hbm:s3], $0xF7A  }
0x26: {  	[smem:$0x3F9E] =	sst s1;
	(tag) =	ssettag s2;
	_ =	strace s9  }
0x27: {  	s1 =	sld [smem:$0x3FAE]  }
0x28: {  	s2 =	sld [smem:$0x3FAF]  }
0x29: {  	s4 =	sld [smem:$0x3FB1]  }
0x2a: {  	p0 =	seq.s32 s5, $0x0;
	s5 =	sld [smem:$0x3FB2]  }
0x2b: {  	s6 =	sld [smem:$0x3FB3]  }
0x2c: {  	s7 =	sld [smem:$0x3FB4]  }
0x2d: {  	s3 =	simm.s32 $0x108;
	s8 =	sld [smem:$0x3FB5]  }
0x2e: {  	s3 =	simm.s32 @!p0 $0x1082;
	s9 =	sld [smem:$0x3FB6]  }
0x2f: {  	lr =	sadd.s32 s0, s3;
	s0 =	sld [smem:$0x3FAD]  }
0x30: {  	s3 =	sld [smem:$0x3FB0]  }
0x31: {  	[smem:$0x3FB9] =	sst s10  }
0x32: {  	s10 =	sld [smem:$0x3FB7];
	_ =	sdelay $0x3  }
0x33: {  	p0 =	seq.s32 s10, $0x1;
	s10 =	sld [smem:$0x3FB9];
	_ =	sdelay $0x3  }
0x34: {  	[smem:$0x3FB9] =	sst s10  }
0x35: {  	s10 =	sld [smem:$0x3FB8];
	_ =	sdelay $0x3  }
0x36: {  	p1 =	seq.s32 s10, $0x1;
	s10 =	sld [smem:$0x3FB9];
	_ =	sdelay $0x3  }
0x37: {  	[smem:$0x3FB9] =	sst s10  }
0x38: {  	s10 =	sld [smem:$0x3FBA]  }
0x39: {  	_ = 	snop;
	(pc) =	sbr.ind lr, $3  }
0x3a: {  	_ = 	snop  }
0x3b: {  	_ = 	snop  }
0x3c: {  	p2 =	seq.s32 s10, $0x1;
	s10 =	sld [smem:$0x3FB9]  }
0x3d: {  	_ =	shalt  }
0x3e: {  	_ =	shalt  }
0x3f: {  	_ =	shalt  }
0x40: {  	_ =	shalt  }
0x41: {  	_ =	shalt  }
0x42: {  	_ =	shalt  }
0x43: {  	_ =	shalt  }
0x44: {  	_ =	shalt  }
0x45: {  	_ =	shalt  }
0x46: {  	_ =	shalt  }
0x47: {  	_ =	shalt  }
0x48: {  	_ =	shalt  }
0x49: {  	_ =	shalt  }
0x4a: {  	_ =	shalt  }
0x4b: {  	_ =	shalt  }
0x4c: {  	_ =	shalt  }
0x4d: {  	_ =	shalt  }
0x4e: {  	_ =	shalt  }
0x4f: {  	_ =	shalt  }
0x50: {  	_ =	shalt  }
0x51: {  	_ =	shalt  }
0x52: {  	_ =	shalt  }
0x53: {  	_ =	shalt  }
0x54: {  	_ =	shalt  }
0x55: {  	_ =	shalt  }
0x56: {  	_ =	shalt  }
0x57: {  	_ =	shalt  }
0x58: {  	_ =	shalt  }
0x59: {  	_ =	shalt  }
0x5a: {  	_ =	shalt  }
0x5b: {  	_ =	shalt  }
0x5c: {  	_ =	shalt  }
0x5d: {  	_ =	shalt  }
0x5e: {  	_ =	shalt  }
0x5f: {  	_ =	shalt  }
0x60: {  	_ =	shalt  }
0x61: {  	_ =	shalt  }
0x62: {  	_ =	shalt  }
0x63: {  	_ =	shalt  }
0x64: {  	_ =	shalt  }
0x65: {  	_ =	shalt  }
0x66: {  	_ =	shalt  }
0x67: {  	_ =	shalt  }
0x68: {  	_ =	shalt  }
0x69: {  	_ =	shalt  }
0x6a: {  	_ =	shalt  }
0x6b: {  	_ =	shalt  }
0x6c: {  	_ =	shalt  }
0x6d: {  	_ =	shalt  }
0x6e: {  	_ =	shalt  }
0x6f: {  	_ =	shalt  }
0x70: {  	_ =	shalt  }
0x71: {  	_ =	shalt  }
0x72: {  	_ =	shalt  }
0x73: {  	_ =	shalt  }
0x74: {  	_ =	shalt  }
0x75: {  	_ =	shalt  }
0x76: {  	_ =	shalt  }
0x77: {  	_ =	shalt  }
0x78: {  	_ =	shalt  }
0x79: {  	_ =	shalt  }
0x7a: {  	_ =	shalt  }
0x7b: {  	_ =	shalt  }
0x7c: {  	_ =	shalt  }
0x7d: {  	_ =	shalt  }
0x7e: {  	_ =	shalt  }
0x7f: {  	_ =	shalt  }
0x80: {  	_ =	shalt  }
0x81: {  	_ =	shalt  }
0x82: {  	_ =	shalt  }
0x83: {  	_ =	shalt  }
0x84: {  	_ =	shalt  }
0x85: {  	_ =	shalt  }
0x86: {  	_ =	shalt  }
0x87: {  	_ =	shalt  }
.Lfunc_end0:
.L_simem_size_0:
called_computation_lowered:
.L_overlay_start_0:
0x88: {  	s2 =	sld [smem:$0x3FD9]  }
0x89: {  	s3 =	sld [smem:$0x3FFE];
	_ =	sdelay $0x1  }
0x8a: {  	s1 =	srdreg.scid  }
0x8b: {  	s0 =	sand.u32 $0x1, s1  }
0x8c: {  	s16 =	sshll.u32 s0, $0xA;
	s2 =	sadd.s32 s3, s2  }
0x8d: {  	s2 =	sadd.s32 s2, s16  }
0x8e: {  	[smem:$0x3FC5] =	sst s2  }
0x8f: {  	_ = 	snop  }
0x90: {  	(tm) =	ssettm $0x1  }
0x91: {  	s17 =	sld [smem:$0x3FFB];
	_ =	sdelay $0x3  }
0x92: {  	_ =	strace s17  }
0x93: {  	s2 =	sld [smem:$0x3FFC];
	_ =	sdelay $0x3  }
0x94: {  	_ =	strace s2  }
0x95: {  	s2 =	sld [smem:$0x3FFD];
	_ =	sdelay $0x3  }
0x96: {  	_ =	strace s2  }
0x97: {  	_ =	strace $0x8FFFFFFF  }
0x98: {  	s18 =	sld [smem:$0x3FDB];
	_ =	sdelay $0x1  }
0x99: {  	s19 =	simm.s32 $_scs_section_size  }
0x9a: {  	s4 =	simm.s32 $_size__tile_overlayer_lowered;
	s5 =	simm.s32 $_tile_overlayer_lowered  }
0x9b: {  	s22 =	simm.s32 $0x1BFF;
	s21 =	sshll.u32 s5, $0x1;
	s2 =	sadd.s32 s19, s18  }
0x9c: {  	s6 =	simm.s32 $0x0;
	s20 =	sshll.u32 s4, $0x1;
	s4 =	sadd.s32 s21, s2  }
0x9d: {  	[timem:s6], [sflag:s22] =	dma.local [hbm:s4], s20  }
0x9e: {  	_ =	swait.ge [sflag:s22], s20  }
0x9f: {  	s3 =	ssub.s32 $0x0, s20;
	[sflag:s22] =	ssyncset.done $0x0  }
0xa0: {  	[sflag:s22] =	ssyncadd.s32 s3;
	_ =	sdelay $0x1  }
0xa1: {  	s23 =	simm.s32 $0x1B8B  }
0xa2: {  	_ =	swait.ge [sflag:s23], $0x1  }
0xa3: {  	[sflag:s23] =	ssyncset.done $0x0  }
0xa4: {  	s25 =	simm.s32 $0x1B8E;
	s24 =	sld [smem:$0x3FFE];
	[sflag:s23] =	ssyncadd.s32 $0xFFFFFFFF  }
0xa5: {  	s26 =	simm.s32 $execute0_lowered;
	[smem:$0x3FD2] =	sst s25  }
0xa6: {  	s4 =	sshll.u32 s26, $0x1;
	_ =	strace $0x80000046;
	[dreg:$0x1] =	wrdreg $0xFFFFFFFF  }
0xa7: {  	s28 =	simm.s32 $_size_execute0_lowered;
	s2 =	sadd.s32 s2, s4;
	[dreg:$0x0] =	wrdreg $0x0  }
0xa8: {  	s4 =	sshll.u32 s28, $0x1;
	[dreg:$0x2] =	wrdreg s2  }
0xa9: {  	[dreg:$0x3] =	wrdreg s4  }
0xaa: {  	[dreg:$0x4] =	wrdreg $0xC0  }
0xab: {  	_ =	task [dreg:s6], $0x5FFFF  }
0xac: {  	[dreg:$0x1] =	wrdreg $0xFFFFFFFF  }
0xad: {  	[dreg:$0x0] =	wrdreg $0x60  }
0xae: {  	[dreg:$0x2] =	wrdreg s24  }
0xaf: {  	[dreg:$0x3] =	wrdreg $0x9  }
0xb0: {  	_ =	task.clear_ibuf [dreg:s6], $0x4FFFF;
	_ =	strace $0x90000046  }
0xb1: {  	s29 =	simm.s32 $0x9;
	_ =	strace $0x80000048  }
0xb2: {  	_ =	swait.ge [sflag:s29], $0x1  }
0xb3: {  	[sflag:s29] =	ssyncadd.s32 $0xFFFFFFFF  }
0xb4: {  	_ =	strace $0x90000048  }
0xb5: {  	_ =	sfence  }
0xb6: {  	s30 =	sld [smem:$0x0];
	_ =	sdelay $0x2  }
0xb7: {  	s31 =	sshll.u32 s1, $0xD;
	s1 =	sshrl.u32 s1, $0x2  }
0xb8: {  	s3 =	sand.u32 $0x4000, s31;
	s1 =	sadd.s32 s1, s30  }
0xb9: {  	s0 =	sor.u32 s3, s0;
	s1 =	sshll.u32 s1, $0x11  }
0xba: {  	s0 =	sor.u32 s1, s0  }
0xbb: {  	s0 =	sadd.s32 $0x8F2B, s0  }
0xbc: {  	[sflag:s0] =	ssyncadd.remote.s32 $0x1  }
0xbd: {  	_ =	sfence.sel $0xFFFF  }
0xbe: {  	[dreg:$0x0] =	wrdreg $0xFFFFFFFF;
	(pc) =	sbr.abs _section_cstart, $3  }
0xbf: {  	[dreg:$0x1] =	wrdreg $0xFFFFFFFF  }
0xc0: {  	_ =	task.clear_ibuf [dreg:s6], $0x2FFFF;
	_ =	strace $0x9FFFFFFF  }
0xc1: {  	(tm) =	ssettm $0x7FFFFFFF  }
tec
execute0_lowered:
.L_overlay_start_1:
0x0: {  	(tag) =	ssettag $0x1  }
0x1: {  	s3 =	rddreg [dreg:$0x0]  }
0x2: {  	s0 =	rddreg [dreg:$0x1];
	s4 =	srdreg.scid  }
0x3: {  	s2 =	simm.s32 $0x0;
	s1 =	stileid.u32;
	s4 =	sand.u32 $0x1, s4  }
0x4: {  	s7 =	simm.s32 $0x10000;
	s5 =	sshll.u32 s1, $0xE;
	s6 =	sshll.u32 s4, $0xD  }
0x5: {  	s8 =	simm.s32 $0x0;
	s4 =	ssub.s32 $0x2, s4;
	s5 =	sor.u32 s6, s5  }
0x6: {  	[smem:$0x7FF] =	sst s2;
	s31 =	sshrl.u32 s4, $0x1;
	s5 =	sadd.s32 s5, s3  }
0x7: {  	_ =	strace $0x80000047;
	s6 =	ssub.s32 s4, s31;
	s3 =	sadd.s32 $0xA00, s5  }
0x8: {  	v0 =	vimm.s32 $0xF;
	v1 =	vimm.s32 $0xE;
	v2 =	vlaneseq.u32;
	s4 =	sadd.s32 $0x40A00, s5;
	s5 =	smax.u32 s6, $0x1;
	s6 =	simm.s32 $0x1  }
.LBB2_1:
0x9: {  	[tilespmem:s2], [sflag:$0x1] =	stream.linear.gather [hbm4b:s3+s2], $0x10000, $0x38;
	v63 =	vld [tilespmem:$0x0]  }
0xa: {  	_ =	swait.ge [sflag:s6], $0x10000  }
0xb: {  	[sflag:s6] =	ssyncset.done $0x0  }
0xc: {  	s9 =	simm.s32 $0x100;
	[sflag:s6] =	ssyncadd.s32 $0xFFFF0000  }
0xd: {  	v7 =	vld [tilespmem:s9+$0xFFFFFF00];
	_ =	sdelay $0x2  }
0xe: {  	v8 =	vld [tilespmem:s9+$0xFFFFFF80];
	_ =	sdelay $0x1  }
0xf: {  	v9 =	vld [tilespmem:s9+$0x80];
	(xrf1) =	vsort.ascd.msk.f32 $0xffff, v7, v7;
	_ =	sdelay $0x1  }
0x10: {  	v10 =	vld [tilespmem:s9+$0x0]  }
0x11: {  	(xrf1) =	vsort.ascd.msk.f32 $0xffff, v8, v8;
	_ =	sdelay $0x1  }
0x12: {  	(xrf1) =	vsort.ascd.msk.f32 $0xffff, v9, v9;
	_ =	sdelay $0x1  }
0x13: {  	(xrf1) =	vsort.ascd.msk.f32 $0xffff, v10, v10;
	_ =	sdelay $0x6  }
0x14: {  	v3, _, _ =	vpop (xrf1)  }
0x15: {  	v11 =	vperm.xlane v3, v0;
	v3 =	vperm.xlane v3, v1;
	_ =	sdelay $0x1  }
0x16: {  	v4, _, _ =	vpop (xrf1);
	v5 =	vsub.f32 v3, v11  }
0x17: {  	v12 =	vperm.xlane v4, v1  }
0x18: {  	v6, _, _ =	vpop (xrf1);
	v13 =	vperm.xlane v4, v0;
	v4 =	vmul.f32 $1.442695020e+00, v5  }
0x19: {  	v14 =	vperm.xlane v6, v0;
	v15 =	vperm.xlane v6, v1;
	vm0 =	veq.f32 v7, v3  }
0x1a: {  	v19 =	vsub.f32 v7, v11;
	v6 =	vsub.f32 v12, v13;
	v5, _, _ =	vpop (xrf1);
	(erf) = vpow2.f32 v4  }
0x1b: {  	s31 =	simm.s32 $0x300;
	v18 =	vsub.f32 v15, v14;
	v16 =	vperm.xlane v5, v1;
	v17 =	vperm.xlane v5, v0  }
0x1c: {  	vm2 =	veq.f32 v7, v11;
	v20 =	vsub.f32 v8, v13;
	v6 =	vmul.f32 $1.442695020e+00, v6;
	v5 =	vld [tilespmem:s31+$0xFFFFFF00]  }
0x1d: {  	v11 =	vmctz.xlane vm2;
	v4 =	vld [tilespmem:s31+$0xFFFFFF80];
	v18 =	vmul.f32 $1.442695020e+00, v18;
	v21 =	vsub.f32 v16, v17  }
0x1e: {  	v3 =	vld [tilespmem:s31+$0x80];
	v19 =	vmul.f32 $1.442695020e+00, v19;
	v23 =	vsub.f32 v9, v14;
	(erf) = vpow2.f32 v6  }
0x1f: {  	vm3 =	veq.f32 v9, v14;
	(erf) = vpow2.f32 v18;
	v21 =	vmul.f32 $1.442695020e+00, v21  }
0x20: {  	v6 =	vld [tilespmem:s31+$0x0];
	v18 =	vmul.f32 $1.442695020e+00, v20;
	v22 =	vsub.f32 v10, v17;
	vm1 =	veq.f32 v10, v17  }
0x21: {  	vm4 =	veq.f32 v9, v15;
	v7 =	vmctz.xlane vm1;
	(xrf1) =	vsort.ascd.msk.f32 $0xffff, v5, v5;
	(erf) = vpow2.f32 v21  }
0x22: {  	vm2 =	veq.f32 v10, v16;
	vm1 =	veq.f32 v8, v13;
	v17 =	vmul.f32 $1.442695020e+00, v22;
	(xrf1) =	vsort.ascd.msk.f32 $0xffff, v4, v4  }
0x23: {  	v10 =	vmctz.xlane vm1;
	vm1 =	vne.s32 v7, v2;
	(xrf1) =	vsort.ascd.msk.f32 $0xffff, v3, v3;
	v13 =	vpop (erf);
	(erf) = vpow2.f32 v18  }
0x24: {  	vm1 =	vmand vm2, vm1;
	vm2 =	vne.s32 v11, v2;
	(erf) = vpow2.f32 v19  }
0x25: {  	v16 =	vmctz.xlane vm1;
	vm0 =	vmand vm0, vm2;
	(xrf1) =	vsort.ascd.msk.f32 $0xffff, v6, v6;
	(erf) = vpow2.f32 v17  }
0x26: {  	vm1 =	vne.s32 v10, v2;
	vm2 =	veq.f32 v8, v12;
	v13 =	vadd.f32 $1.000000000e+00, v13  }
0x27: {  	vm1 =	vmand vm2, vm1;
	v12 =	vmctz.xlane vm0;
	vm2 =	veq.s32 v16, v2;
	v8 =	vpop (erf)  }
0x28: {  	v14 =	vmctz.xlane vm1;
	v8 =	vadd.f32 $1.000000000e+00, v8;
	v17 =	vmul.f32 $1.442695020e+00, v23  }
0x29: {  	vm0 =	veq.s32 v12, v2;
	v12 =	vmctz.xlane vm3;
	v16 =	vpop (erf);
	(erf) = vrcp.f32 v13  }
0x2a: {  	vm3 =	veq.s32 v10, v2;
	vm1 =	veq.s32 v14, v2;
	v16 =	vadd.f32 $1.000000000e+00, v16;
	v13 =	vpop (erf)  }
0x2b: {  	(erf) = vpow2.f32 v17;
	vm5 =	vne.s32 v12, v2;
	v13 =	vadd.f32 $1.000000000e+00, v13  }
0x2c: {  	vm3 =	vmor vm3, vm1;
	vm1 =	vmand vm4, vm5;
	v18 =	vpop (erf);
	(erf) = vrcp.f32 v8  }
0x2d: {  	vm4 =	veq.s32 v7, v2;
	v7 =	vmctz.xlane vm1;
	v14 =	vpop (erf);
	(erf) = vrcp.f32 v13  }
0x2e: {  	v23 =	vpop (erf);
	(erf) = vrcp.f32 v16  }
0x2f: {  	vm5 =	veq.s32 v11, v2;
	vm1 =	vmor vm4, vm2;
	vm2 =	veq.s32 v12, v2;
	v8, _, _ =	vpop (xrf1)  }
0x30: {  	vm4 =	veq.s32 v7, v2;
	v10 =	vperm.xlane v8, v0;
	v9 =	vperm.xlane v8, v1;
	v11, _, _ =	vpop (xrf1)  }
0x31: {  	vm5 =	vmor vm5, vm0;
	vm2 =	vmor vm2, vm4;
	v8 =	vperm.xlane v11, v1;
	v7, _, _ =	vpop (xrf1)  }
0x32: {  	v12 =	vperm.xlane v11, v0;
	v11 =	vpop (erf);
	vm0 =	veq.f32 v5, v9;
	v13 =	vsub.f32 v9, v10  }
0x33: {  	v15 =	vsub.f32 v5, v10;
	v9 =	vperm.xlane v7, v0;
	v16, _, _ =	vpop (xrf1);
	v11 =	vmul.f32 v11, v14  }
0x34: {  	v14 =	vpop (erf);
	v7 =	vperm.xlane v7, v1;
	v20 =	vsub.f32 v8, v12;
	v19 =	vmul.f32 $1.442695020e+00, v13  }
0x35: {  	v17 =	vsub.f32 v4, v12;
	v13 =	vperm.xlane v16, v1;
	v22 =	vnsel vm5, $0x0, v11;
	v21 =	vpop (erf)  }
0x36: {  	s9 =	simm.s32 $0x10100;
	v11 =	vsub.f32 v3, v9;
	(erf) = vpow2.f32 v19;
	v21 =	vmul.f32 v21, v18;
	v18 =	vpop (erf)  }
0x37: {  	s11 =	simm.s32 $0x4;
	s12 =	simm.s32 $0x500;
	s10 =	simm.s32 $0x10100;
	[tilespmem:s9+$0xFFFFFF00] =	vst v22;
	v22 =	vsub.f32 v7, v9;
	v19 =	vperm.xlane v16, v0;
	v16 =	vmul.f32 v18, v23;
	v18 =	vpop (erf)  }
.LBB2_2:
0x38: {  	v23 =	vld [tilespmem:s12+$0xFFFFFF00];
	s11 =	sadd.s32 $0x4, s11;
	v20 =	vmul.f32 $1.442695020e+00, v20;
	v21 =	vnsel vm3, $0x0, v21;
	v14 =	vmul.f32 v18, v14;
	s9 =	sadd.s32 $0x200, s9  }
0x39: {  	v18 =	vld [tilespmem:s12+$0xFFFFFF80];
	p0 =	slt.u32 s11, $0x1FC;
	v24 =	vsub.f32 v6, v19;
	v25 =	vsub.f32 v13, v19;
	v22 =	vmul.f32 $1.442695020e+00, v22;
	[tilespmem:s10+$0xFFFFFF80] =	vst v21  }
0x3a: {  	v15 =	vmul.f32 $1.442695020e+00, v15;
	v16 =	vnsel vm1, $0x0, v16;
	v21 =	vld [tilespmem:s12+$0x80];
	(erf) = vpow2.f32 v20  }
0x3b: {  	v14 =	vnsel vm2, $0x0, v14;
	v20 =	vmul.f32 $1.442695020e+00, v25;
	(erf) = vpow2.f32 v22;
	[tilespmem:s10+$0x0] =	vst v16  }
0x3c: {  	v17 =	vmul.f32 $1.442695020e+00, v17;
	vm1 =	veq.f32 v6, v19;
	v19 =	vmul.f32 $1.442695020e+00, v24;
	v16 =	vld [tilespmem:s12+$0x0];
	[tilespmem:s10+$0x80] =	vst v14;
	s10 =	smov.u32 s9  }
0x3d: {  	vm2 =	veq.f32 v5, v10;
	v10 =	vmctz.xlane vm1;
	(xrf1) =	vsort.ascd.msk.f32 $0xffff, v23, v23;
	(erf) = vpow2.f32 v20;
	v5 =	vmovc v23  }
0x3e: {  	vm1 =	veq.f32 v4, v12;
	v14 =	vmctz.xlane vm2;
	vm2 =	veq.f32 v6, v13;
	(xrf1) =	vsort.ascd.msk.f32 $0xffff, v18, v18  }
0x3f: {  	v12 =	vmctz.xlane vm1;
	vm1 =	vne.s32 v10, v2;
	(xrf1) =	vsort.ascd.msk.f32 $0xffff, v21, v21;
	v6 =	vpop (erf);
	(erf) = vpow2.f32 v17  }
0x40: {  	vm1 =	vmand vm2, vm1;
	v13 =	vadd.f32 $1.000000000e+00, v6;
	(erf) = vpow2.f32 v15  }
0x41: {  	vm2 =	vne.s32 v14, v2;
	v15 =	vmctz.xlane vm1;
	(xrf1) =	vsort.ascd.msk.f32 $0xffff, v16, v16;
	(erf) = vpow2.f32 v19;
	v6 =	vmovc v16  }
0x42: {  	vm1 =	vmand vm0, vm2;
	vm0 =	vne.s32 v12, v2;
	vm2 =	veq.f32 v4, v8;
	v4 =	vmovc v18  }
0x43: {  	vm3 =	veq.f32 v3, v9;
	vm2 =	vmand vm2, vm0;
	vm0 =	veq.s32 v15, v2;
	v8 =	vpop (erf)  }
0x44: {  	v9 =	vmctz.xlane vm1;
	v15 =	vmctz.xlane vm2;
	v8 =	vadd.f32 $1.000000000e+00, v8;
	v16 =	vpop (erf)  }
0x45: {  	v11 =	vmul.f32 $1.442695020e+00, v11;
	v16 =	vadd.f32 $1.000000000e+00, v16;
	(erf) = vrcp.f32 v13  }
0x46: {  	vm2 =	veq.s32 v9, v2;
	v9 =	vmctz.xlane vm3;
	vm1 =	veq.s32 v15, v2;
	v13 =	vpop (erf)  }
0x47: {  	vm4 =	veq.f32 v3, v7;
	v3 =	vmovc v21;
	v13 =	vadd.f32 $1.000000000e+00, v13;
	(erf) = vpow2.f32 v11  }
0x48: {  	vm3 =	veq.s32 v12, v2;
	vm5 =	vne.s32 v9, v2;
	v18 =	vpop (erf);
	(erf) = vrcp.f32 v8  }
0x49: {  	vm3 =	vmor vm3, vm1;
	vm1 =	vmand vm4, vm5;
	v7 =	vpop (erf);
	(erf) = vrcp.f32 v13  }
0x4a: {  	vm4 =	veq.s32 v10, v2;
	v8 =	vmctz.xlane vm1;
	v23 =	vpop (erf);
	(erf) = vrcp.f32 v16  }
0x4b: {  	vm5 =	veq.s32 v14, v2;
	vm1 =	vmor vm4, vm0;
	vm0 =	veq.s32 v9, v2;
	v11, _, _ =	vpop (xrf1)  }
0x4c: {  	vm4 =	veq.s32 v8, v2;
	v10 =	vperm.xlane v11, v0;
	v9 =	vperm.xlane v11, v1;
	v11, _, _ =	vpop (xrf1)  }
0x4d: {  	vm5 =	vmor vm5, vm2;
	vm2 =	vmor vm0, vm4;
	v8 =	vperm.xlane v11, v1;
	v16, _, _ =	vpop (xrf1)  }
0x4e: {  	v12 =	vperm.xlane v11, v0;
	vm0 =	veq.f32 v5, v9;
	v13 =	vsub.f32 v9, v10;
	v11 =	vpop (erf)  }
.Ltmp0:
0x4f: {  	v15 =	vsub.f32 v5, v10;
	v9 =	vperm.xlane v16, v0;
	v19, _, _ =	vpop (xrf1);
	v11 =	vmul.f32 v11, v7;
	(pc) =	sbr.rel @p0 .LBB2_2-.Ltmp0, $4  }
0x50: {  	v20 =	vsub.f32 v8, v12;
	v21 =	vmul.f32 $1.442695020e+00, v13;
	v13 =	vperm.xlane v19, v1;
	v14 =	vpop (erf)  }
0x51: {  	v17 =	vsub.f32 v4, v12;
	v7 =	vperm.xlane v16, v1;
	v24 =	vnsel vm5, $0x0, v11;
	v22 =	vpop (erf)  }
0x52: {  	v11 =	vsub.f32 v3, v9;
	(erf) = vpow2.f32 v21;
	[tilespmem:s9+$0xFFFFFF00] =	vst v24;
	v21 =	vmul.f32 v22, v18;
	v16 =	vpop (erf)  }
0x53: {  	s12 =	sadd.s32 $0x200, s12;
	v19 =	vperm.xlane v19, v0;
	v22 =	vsub.f32 v7, v9;
	v16 =	vmul.f32 v16, v23;
	v18 =	vpop (erf)  }
0x54: {  	_ = 	snop  }
0x55: {  	v20 =	vmul.f32 $1.442695020e+00, v20;
	v23 =	vsub.f32 v13, v19  }
0x56: {  	v22 =	vmul.f32 $1.442695020e+00, v22  }
0x57: {  	(erf) = vpow2.f32 v20;
	v36 =	vmul.f32 $1.442695020e+00, v23  }
0x58: {  	(erf) = vpow2.f32 v22  }
0x59: {  	(erf) = vpow2.f32 v36;
	_ =	sdelay $0x2  }
0x5a: {  	v15 =	vmul.f32 $1.442695020e+00, v15  }
0x5b: {  	v17 =	vmul.f32 $1.442695020e+00, v17;
	vm5 =	veq.f32 v5, v10;
	v37 =	vsub.f32 v6, v19  }
0x5c: {  	v40 =	vnsel vm3, $0x0, v21;
	vm15 =	veq.f32 v4, v12;
	v11 =	vmul.f32 $1.442695020e+00, v11  }
0x5d: {  	vm8 =	veq.f32 v6, v13;
	v38 =	vmul.f32 $1.442695020e+00, v37;
	v42 =	vpop (erf);
	(erf) = vpow2.f32 v17  }
0x5e: {  	vm12 =	veq.f32 v4, v8;
	v43 =	vadd.f32 $1.000000000e+00, v42;
	(erf) = vpow2.f32 v15;
	v44 =	vpop (erf)  }
0x5f: {  	v49 =	vmul.f32 v18, v14;
	vm13 =	veq.f32 v3, v9;
	(erf) = vpow2.f32 v38;
	v45 =	vpop (erf)  }
0x60: {  	vm4 =	veq.f32 v6, v19;
	v15 =	vadd.f32 $1.000000000e+00, v44;
	(erf) = vrcp.f32 v43;
	v47 =	vpop (erf)  }
0x61: {  	v41 =	vmctz.xlane vm5;
	(erf) = vpow2.f32 v11;
	v12 =	vadd.f32 $1.000000000e+00, v47  }
0x62: {  	v46 =	vmctz.xlane vm15;
	v6 =	vadd.f32 $1.000000000e+00, v45;
	(erf) = vrcp.f32 v15  }
0x63: {  	v54 =	vnsel vm1, $0x0, v16;
	v55 =	vmctz.xlane vm13;
	(erf) = vrcp.f32 v12  }
0x64: {  	v39 =	vmctz.xlane vm4;
	v4 =	vnsel vm2, $0x0, v49;
	(erf) = vrcp.f32 v6  }
0x65: {  	vm10 =	vne.s32 v41, v2;
	vm11 =	vne.s32 v46, v2;
	vm13 =	veq.s32 v41, v2  }
0x66: {  	vm9 =	vne.s32 v39, v2;
	vm0 =	vmand vm0, vm10;
	vm10 =	veq.s32 v46, v2;
	v50 =	vpop (erf)  }
0x67: {  	vm3 =	vmand vm8, vm9;
	v51 =	vmctz.xlane vm0;
	vm9 =	veq.f32 v3, v7;
	v53 =	vpop (erf)  }
0x68: {  	v48 =	vmctz.xlane vm3;
	vm3 =	vmand vm12, vm11;
	vm11 =	vne.s32 v55, v2;
	v56 =	vpop (erf)  }
0x69: {  	vm12 =	veq.s32 v39, v2;
	v52 =	vmctz.xlane vm3;
	vm3 =	vmand vm9, vm11;
	v3 =	vpop (erf)  }
0x6a: {  	vm15 =	veq.s32 v51, v2;
	vm14 =	veq.s32 v48, v2;
	v58 =	vmctz.xlane vm3;
	v57 =	vpop (erf)  }
0x6b: {  	[tilespmem:s10+$0xFFFFFF80] =	vst v40;
	vm1 =	vmor vm13, vm15;
	vm8 =	veq.s32 v52, v2;
	v3 =	vmul.f32 v3, v53;
	v59 =	vpop (erf)  }
0x6c: {  	[tilespmem:s10+$0x0] =	vst v54;
	vm0 =	vmor vm12, vm14;
	vm14 =	veq.s32 v55, v2;
	v6 =	vmul.f32 v59, v50;
	v60 =	vpop (erf)  }
0x6d: {  	s9 =	sadd.s32 $0x200, s9;
	[tilespmem:s10+$0x80] =	vst v4;
	vm2 =	vmor vm10, vm8;
	v3 =	vnsel vm1, $0x0, v3;
	v61 =	vmul.f32 v60, v56;
	v62 =	vpop (erf)  }
0x6e: {  	vm15 =	veq.s32 v58, v2;
	[tilespmem:s9+$0xFFFFFF00] =	vst v3;
	v3 =	vnsel vm2, $0x0, v6;
	v5 =	vmul.f32 v62, v57  }
0x6f: {  	s8 =	sadd.s32 $0x1, s8;
	vm1 =	vmor vm14, vm15;
	[tilespmem:s9+$0xFFFFFF80] =	vst v3;
	v3 =	vnsel vm0, $0x0, v61  }
0x70: {  	p0 =	sne.s32 s8, s5;
	[tilespmem:s9+$0x0] =	vst v3;
	v3 =	vnsel vm1, $0x0, v5  }
.Ltmp1:
0x71: {  	[tilespmem:s9+$0x80] =	vst v3;
	(pc) =	sbr.rel @p0 .LBB2_1-.Ltmp1, $4  }
0x72: {  	[hbm4b:s4+s2] =	stream.linear.scatter [tilespmem:s7], [sflag:$0x1], $0x10000, $0x38;
	v63 =	vld [tilespmem:$0x0]  }
0x73: {  	_ =	swait.ge [sflag:s6], $0x10000  }
0x74: {  	[sflag:s6] =	ssyncset.done $0x0  }
0x75: {  	[sflag:s6] =	ssyncadd.s32 $0xFFFF0000  }
0x76: {  	_ =	sfence.sel $0x180000  }
0x77: {  	[bflag:$0x0] =	sbarrier.arrive $0xFFFF  }
0x78: {  	p0 =	sne.s32 s1, $0x0;
	_ =	strace $0x90000047  }
0x79: {  	s0 =	sadd.s32 @!p0 $0x100000, s0;
	[bflag:$0x2] =	sbarrier.arrive $0xFFFF  }
0x7a: {  	[sflag:s0] =	ssyncadd.tile.s32 @!p0 $0x1;
	_ =	shalt  }
.Lfunc_end2:
_tile_overlayer_lowered:
.L_overlay_start_2:
0x7b: {  	(tag) =	ssettag $0x2  }
0x7c: {  	s0 =	rddreg [dreg:$0x0];
	s2 =	stileid.u32  }
0x7d: {  	s1 =	rddreg [dreg:$0x1];
	p0 =	sne.s32 s2, $0x0  }
0x7e: {  	s3 =	rddreg [dreg:$0x2];
	[bflag:$0x3] =	sbarrier.arrive $0xFFFF;
	s2 =	simm.s32 @!p0 $0x1C01  }
0x7f: {  	[timem:s3], [sflag:s2] =	dma.local @!p0 [hbm:s0], s1  }
0x80: {  	s0 =	simm.s32 @!p0 $0x1  }
0x81: {  	_ =	swait.ge @!p0 [sflag:s0], s1  }
0x82: {  	s1 =	ssub.s32 @!p0 $0x0, s1;
	[sflag:s0] =	ssyncset.done @!p0 $0x0  }
0x83: {  	[sflag:s0] =	ssyncadd.s32 @!p0 s1  }
0x84: {  	[bflag:$0x3] =	sbarrier.arrive $0xFFFF  }
0x85: {  	_ =	shalt  }

</sc_bundles>
